<compile_context>
chip_gen: v7x
topology: tpu7x:2x2x1
jax: 0.10.2.dev20260603
libtpu: 0.0.44.dev20260713+nightly
codegen_flags: <defaults>
</compile_context>

<pallas_src>
import functools

import jax
import jax.numpy as jnp
from jax.experimental import pallas as pl
from jax.experimental.pallas import tpu as pltpu
from jax.experimental.pallas import tpu_sc as plsc

B = 8
N = 8192
G = 256
K = 32
_INF = float("inf")

_SC_NC = 2
_SC_NS = 16
_SC_NW = _SC_NC * _SC_NS
_ROWS = B * G * K
_RPT = _ROWS // _SC_NW
_CPT = _RPT // K
_IDX_SUB = _RPT // 128


def _fps_kernel(x_ref, y_ref, z_ref, cx_ref, cy_ref, cz_ref):
    f32 = jnp.float32
    x = x_ref[:, :]
    y = y_ref[:, :]
    z = z_ref[:, :]
    iota_bn = jax.lax.broadcasted_iota(jnp.int32, (B, N), 1)
    iota_bg = jax.lax.broadcasted_iota(jnp.int32, (B, G), 1)

    def fps_body(i, carry):
        dmin, far, cxa, cya, cza = carry
        sel = iota_bn == far
        cxi = jnp.sum(jnp.where(sel, x, 0.0), axis=1, keepdims=True)
        cyi = jnp.sum(jnp.where(sel, y, 0.0), axis=1, keepdims=True)
        czi = jnp.sum(jnp.where(sel, z, 0.0), axis=1, keepdims=True)
        colm = iota_bg == i
        cxa = jnp.where(colm, cxi, cxa)
        cya = jnp.where(colm, cyi, cya)
        cza = jnp.where(colm, czi, cza)
        dx = x - cxi
        dy = y - cyi
        dz = z - czi
        d = (dx * dx + dy * dy) + dz * dz
        dmin = jnp.minimum(dmin, d)
        mx = jnp.max(dmin, axis=1, keepdims=True)
        far = jnp.min(jnp.where(dmin == mx, iota_bn, N), axis=1, keepdims=True)
        return dmin, far, cxa, cya, cza

    dmin0 = jnp.full((B, N), _INF, dtype=f32)
    far0 = jnp.zeros((B, 1), dtype=jnp.int32)
    ca0 = jnp.zeros((B, G), dtype=f32)
    _, _, cxa, cya, cza = jax.lax.fori_loop(
        0, G, fps_body, (dmin0, far0, ca0, ca0, ca0))
    cx_ref[:, :] = cxa
    cy_ref[:, :] = cya
    cz_ref[:, :] = cza


def _group_kernel(x_ref, y_ref, z_ref, cxr, cyr, czr, dmat_ref,
                  idx_ref, cx_ref, cy_ref, cz_ref):
    f32 = jnp.float32
    cxa = cxr[:, :]
    cya = cyr[:, :]
    cza = czr[:, :]
    iota_bg = jax.lax.broadcasted_iota(jnp.int32, (B, G), 1)

    iota_bgg1 = jax.lax.broadcasted_iota(jnp.int32, (B, G, G), 1)
    iota_bgg2 = jax.lax.broadcasted_iota(jnp.int32, (B, G, G), 2)
    dmat = jnp.where(iota_bgg1 == iota_bgg2, _INF, dmat_ref[:, :, :])

    def chain_body(s, carry):
        visited, cur, orda = carry
        rowm = iota_bgg1 == cur[:, :, None]
        row = jnp.sum(jnp.where(rowm, dmat, 0.0), axis=1)
        row = jnp.where(visited != 0, _INF, row)
        mn = jnp.min(row, axis=1, keepdims=True)
        nxt = jnp.min(jnp.where(row == mn, iota_bg, G), axis=1, keepdims=True)
        orda = jnp.where(iota_bg == s, nxt, orda)
        visited = jnp.maximum(visited, (iota_bg == nxt).astype(jnp.int32))
        return visited, nxt, orda

    visited0 = (iota_bg == 0).astype(jnp.int32)
    cur0 = jnp.zeros((B, 1), dtype=jnp.int32)
    order0 = jnp.zeros((B, G), dtype=jnp.int32)
    _, _, order = jax.lax.fori_loop(
        1, G, chain_body, (visited0, cur0, order0))

    iota_gn = jax.lax.broadcasted_iota(jnp.int32, (G, N), 1)
    iota_gk = jax.lax.broadcasted_iota(jnp.int32, (G, K), 1)
    iota_gg2 = jax.lax.broadcasted_iota(jnp.int32, (G, G), 1)
    iota_b1 = jax.lax.broadcasted_iota(jnp.int32, (B, 1), 0)
    hi_prec = jax.lax.Precision.HIGHEST

    def _prep(b):
        sel = iota_b1 == b
        cxb = jnp.transpose(jnp.sum(jnp.where(sel, cxa, 0.0), axis=0,
                                    keepdims=True))
        cyb = jnp.transpose(jnp.sum(jnp.where(sel, cya, 0.0), axis=0,
                                    keepdims=True))
        czb = jnp.transpose(jnp.sum(jnp.where(sel, cza, 0.0), axis=0,
                                    keepdims=True))
        ordb = jnp.transpose(jnp.sum(jnp.where(sel, order, 0), axis=0,
                                     keepdims=True))
        xb = x_ref[pl.ds(b, 1), :]
        yb = y_ref[pl.ds(b, 1), :]
        zb = z_ref[pl.ds(b, 1), :]
        cb = jnp.concatenate([cxb, cyb, czb], axis=1)
        xm = jnp.concatenate([xb, yb, zb], axis=0)
        ab = jax.lax.dot_general(cb, xm, (((1,), (0,)), ((), ())),
                                 preferred_element_type=f32)
        a2 = jnp.sum(cb * cb, axis=1, keepdims=True)
        b2 = xb * xb + yb * yb + zb * zb
        d2 = a2 + b2 - 2.0 * ab
        return d2, cxb, cyb, czb, ordb

    def _sel_step(d2, mnp, idp):
        after = (d2 > mnp) | ((d2 == mnp) & (iota_gn > idp))
        mn = jnp.min(jnp.where(after, d2, _INF), axis=1, keepdims=True)
        tie = mn == mnp
        cand = (d2 == mn) & ((~tie) | (iota_gn > idp))
        idx = jnp.min(jnp.where(cand, iota_gn, N), axis=1, keepdims=True)
        return mn, idx

    def _finish(b, idacc, cxb, cyb, czb, ordb):
        pb = (ordb == iota_gg2).astype(f32)
        dot = functools.partial(jax.lax.dot_general,
                                dimension_numbers=(((1,), (0,)), ((), ())),
                                preferred_element_type=f32,
                                precision=hi_prec)
        pidx = dot(pb, idacc.astype(f32)).astype(jnp.int32) + b * N
        idx_ref[pl.ds(b, 1)] = pidx[None]
        cx_ref[pl.ds(b, 1)] = jnp.transpose(dot(pb, cxb))
        cy_ref[pl.ds(b, 1)] = jnp.transpose(dot(pb, cyb))
        cz_ref[pl.ds(b, 1)] = jnp.transpose(dot(pb, czb))

    def knn_pair(p, _):
        b0 = 2 * p
        b1 = 2 * p + 1
        d2a, cxb0, cyb0, czb0, ordb0 = _prep(b0)
        d2b, cxb1, cyb1, czb1, ordb1 = _prep(b1)

        def sel_body(k, carry):
            mnp0, idp0, ia0, mnp1, idp1, ia1 = carry
            mn0, idx0 = _sel_step(d2a, mnp0, idp0)
            mn1, idx1 = _sel_step(d2b, mnp1, idp1)
            colk = iota_gk == k
            ia0 = jnp.where(colk, idx0, ia0)
            ia1 = jnp.where(colk, idx1, ia1)
            return mn0, idx0, ia0, mn1, idx1, ia1

        mninit = jnp.full((G, 1), -_INF, dtype=f32)
        idinit = jnp.full((G, 1), -1, dtype=jnp.int32)
        iainit = jnp.zeros((G, K), dtype=jnp.int32)
        _, _, ia0, _, _, ia1 = jax.lax.fori_loop(
            0, K, sel_body,
            (mninit, idinit, iainit, mninit, idinit, iainit))
        _finish(b0, ia0, cxb0, cyb0, czb0, ordb0)
        _finish(b1, ia1, cxb1, cyb1, czb1, ordb1)
        return 0

    jax.lax.fori_loop(0, B // 2, knn_pair, 0)


def _sc_gather_body(xyzp_hbm, idx_hbm, cent_hbm, out_hbm,
                    idx_v, rows_v, cent_v, sem):
    wid = jax.lax.axis_index("s") * _SC_NC + jax.lax.axis_index("c")
    base = wid * _RPT
    pltpu.sync_copy(idx_hbm.at[pl.ds(wid * _IDX_SUB, _IDX_SUB)], idx_v)
    cps = []
    for j in range(_IDX_SUB):
        cps.append(pltpu.async_copy(xyzp_hbm.at[idx_v.at[j]],
                                    rows_v.at[pl.ds(j * 128, 128)], sem))
    for cp in cps:
        cp.wait()
    pltpu.sync_copy(cent_hbm.at[pl.ds(wid * _CPT, _CPT)], cent_v)

    def cbody(ci, _):
        cv = cent_v[ci]

        def rbody(i, __):
            r = ci * K + i
            rows_v[r] = rows_v[r] - cv
            return 0

        jax.lax.fori_loop(0, K, rbody, 0)
        return 0

    jax.lax.fori_loop(0, _CPT, cbody, 0)
    pltpu.sync_copy(rows_v, out_hbm.at[pl.ds(base, _RPT)])


@jax.jit
def kernel(xyz):
    f32 = jnp.float32
    x = xyz[:, :, 0]
    y = xyz[:, :, 1]
    z = xyz[:, :, 2]

    cxa, cya, cza = pl.pallas_call(
        _fps_kernel,
        out_shape=(
            jax.ShapeDtypeStruct((B, G), f32),
            jax.ShapeDtypeStruct((B, G), f32),
            jax.ShapeDtypeStruct((B, G), f32),
        ),
    )(x, y, z)

    center = jnp.stack([cxa, cya, cza], axis=-1)
    a2 = jnp.sum(center * center, axis=-1)
    ab = jnp.einsum('bmd,bnd->bmn', center, center)
    dmat = a2[:, :, None] + a2[:, None, :] - 2.0 * ab

    idxp, cxp, cyp, czp = pl.pallas_call(
        _group_kernel,
        out_shape=(
            jax.ShapeDtypeStruct((B, G, K), jnp.int32),
            jax.ShapeDtypeStruct((B, G), f32),
            jax.ShapeDtypeStruct((B, G), f32),
            jax.ShapeDtypeStruct((B, G), f32),
        ),
    )(x, y, z, cxa, cya, cza, dmat)

    centp = jnp.stack([cxp, cyp, czp], axis=-1)
    xyzp = jnp.pad(xyz.reshape(B * N, 3), ((0, 0), (0, 13)))
    cent16 = jnp.pad(centp.reshape(B * G, 3), ((0, 0), (0, 13)))
    idx2d = idxp.reshape(_SC_NW * _IDX_SUB, 128)

    nb16 = pl.kernel(
        _sc_gather_body,
        out_type=jax.ShapeDtypeStruct((_ROWS, 16), f32),
        mesh=plsc.VectorSubcoreMesh(core_axis_name="c", subcore_axis_name="s"),
        scratch_types=[
            pltpu.VMEM((_IDX_SUB, 128), jnp.int32),
            pltpu.VMEM((_RPT, 16), f32),
            pltpu.VMEM((_CPT, 16), f32),
            pltpu.SemaphoreType.DMA,
        ],
        compiler_params=pltpu.CompilerParams(use_tc_tiling_on_sc=False),
    )(xyzp, idx2d, cent16)

    neighborhood = nb16.reshape(B, G, K, 16)[:, :, :, 0:3]
    return neighborhood, centp

# --- scband reference (transcript-rebuilt; emitter-appended) ---
"""Pipeline reference for scband-group-38216619000510 (READ-ONLY COPY).

The authoritative reference and input builder live on the scoring server;
editing this copy changes nothing except your own understanding.
"""

import jax, jax.numpy as jnp
import numpy as np

NUM_GROUP = 256
GROUP_SIZE = 32


def _sq_cdist(a, b):
    # a: [B, M, 3], b: [B, N, 3] -> squared euclidean distances [B, M, N]
    a2 = jnp.sum(a * a, axis=-1)[:, :, None]
    b2 = jnp.sum(b * b, axis=-1)[:, None, :]
    ab = jnp.einsum('bmd,bnd->bmn', a, b)
    return a2 + b2 - 2.0 * ab


def _fps(xyz, npoint):
    # farthest point sampling, deterministic start at index 0 per batch
    B, N, _ = xyz.shape
    def body(carry, _):
        dmin, far = carry
        centroid = xyz[jnp.arange(B), far]  # [B, 3]
        d = jnp.sum((xyz - centroid[:, None, :]) ** 2, axis=-1)  # [B, N]
        dmin = jnp.minimum(dmin, d)
        nxt = jnp.argmax(dmin, axis=-1).astype(jnp.int32)
        return (dmin, nxt), far
    init = (jnp.full((B, N), jnp.inf, dtype=xyz.dtype), jnp.zeros((B,), jnp.int32))
    _, idxs = jax.lax.scan(body, init, None, length=npoint)
    idxs = idxs.T  # [B, npoint]
    return xyz[jnp.arange(B)[:, None], idxs]  # [B, npoint, 3]


def _morton_order(center):
    # simplied_morton_sorting: greedy nearest-unvisited chain starting at group 0
    B, G, _ = center.shape
    D = _sq_cdist(center, center)  # [B, G, G]; squared dist preserves argmin ordering
    D = jnp.where(jnp.eye(G, dtype=bool)[None, :, :], jnp.inf, D)
    D = D.at[:, :, 0].set(jnp.inf)  # mark start point visited
    def body(carry, _):
        Dc, cur = carry
        row = Dc[jnp.arange(B), cur]  # [B, G] distances from last chosen point
        nxt = jnp.argmin(row, axis=-1).astype(jnp.int32)
        mask = jnp.arange(G)[None, :] == nxt[:, None]  # [B, G]
        Dc = jnp.where(mask[:, None, :], jnp.inf, Dc)  # mark column visited
        return (Dc, nxt), nxt
    _, rest = jax.lax.scan(body, (D, jnp.zeros((B,), jnp.int32)), None, length=G - 1)
    order = jnp.concatenate([jnp.zeros((1, B), jnp.int32), rest], axis=0)  # [G, B]
    return order.T  # [B, G]


def setup_inputs(seed: int = 0) -> dict:
    key = jax.random.key(seed)
    xyz = jax.random.normal(key, (8, 8192, 3), dtype=jnp.float32)
    return {"xyz": xyz}


def reference(xyz):
    B, N, _ = xyz.shape
    # FPS centers
    center = _fps(xyz, NUM_GROUP)  # [B, G, 3]
    # KNN: for each center, group_size nearest points from xyz
    d = _sq_cdist(center, xyz)  # [B, G, N]
    _, idx = jax.lax.top_k(-d, GROUP_SIZE)  # [B, G, group_size]
    flat_idx = (idx + (jnp.arange(B) * N)[:, None, None]).reshape(-1)
    neighborhood = xyz.reshape(B * N, 3)[flat_idx].reshape(B, NUM_GROUP, GROUP_SIZE, 3)
    neighborhood = neighborhood - center[:, :, None, :]
    # morton-like greedy ordering of groups (index-only, no grad in original)
    order = _morton_order(jax.lax.stop_gradient(center))  # [B, G]
    neighborhood = neighborhood[jnp.arange(B)[:, None], order]
    center = center[jnp.arange(B)[:, None], order]
    return (neighborhood, center)

if __name__ == "__main__":
    import jax
    _d = setup_inputs()
    print(jax.jit(kernel)(*tuple(_d.values())))

</pallas_src>

<mosaic_0001>
#map = affine_map<(d0, d1) -> (0, 0)>
module attributes {stable_mosaic.version = 14 : i64} {
  func.func @_sc_gather_body(%arg0: i32, %arg1: i32, %arg2: memref<65536x16xf32, #tpu.memory_space<hbm>>, %arg3: memref<512x128xi32, #tpu.memory_space<hbm>>, %arg4: memref<2048x16xf32, #tpu.memory_space<hbm>>, %arg5: memref<65536x16xf32, #tpu.memory_space<hbm>>, %arg6: memref<16x128xi32, #tpu.memory_space<vmem>>, %arg7: memref<2048x16xf32, #tpu.memory_space<vmem>>, %arg8: memref<64x16xf32, #tpu.memory_space<vmem>>, %arg9: memref<!tpu.dma_semaphore, #tpu.memory_space<semaphore_mem>>) attributes {dimension_semantics = [#tpu.dimension_semantics<core_parallel>, #tpu.dimension_semantics<subcore_parallel>], iteration_bounds = array<i64: 2, 16>, scalar_prefetch = 0 : i64, scratch_operands = 4 : i64, tpu.core_type = #tpu.core_type<sc_vector_subcore>, window_params = [{transform_indices = #map}, {transform_indices = #map}, {transform_indices = #map}, {transform_indices = #map}]} {
    %mul3A = arith.constant 2 : i32
    %mul3A_0 = arith.muli %arg1, %mul3A : i32
    %add3A = arith.addi %mul3A_0, %arg0 : i32
    %mul3A_1 = arith.constant 2048 : i32
    %mul3A_2 = arith.muli %add3A, %mul3A_1 : i32
    %mul3A_3 = arith.constant 16 : i32
    %mul3A_4 = arith.muli %add3A, %mul3A_3 : i32
    "tpu.region"() ({
      %run_scoped3A = tpu.sem_alloc : memref<!tpu.dma_semaphore, #tpu.memory_space<semaphore_mem>>
      %dma_start3A_331 = arith.constant 0 : i32
      %dma_start3A_332 = tpu.memref_slice %arg3[%mul3A_4, %dma_start3A_331] : memref<512x128xi32, #tpu.memory_space<hbm>> -> memref<16x128xi32, #tpu.memory_space<hbm>>
      %dma_start3A_333 = arith.constant 0 : i32
      %dma_start3A_334 = tpu.memref_slice %arg3[%mul3A_4, %dma_start3A_333] : memref<512x128xi32, #tpu.memory_space<hbm>> -> memref<16x128xi32, #tpu.memory_space<hbm>>
      tpu.enqueue_dma source(%dma_start3A_334 : memref<16x128xi32, #tpu.memory_space<hbm>>) target(%arg6 : memref<16x128xi32, #tpu.memory_space<vmem>>) target_semaphore(%run_scoped3A : memref<!tpu.dma_semaphore, #tpu.memory_space<semaphore_mem>>)
      %dma_wait3A_335 = arith.constant 0 : i32
      %dma_wait3A_336 = tpu.memref_slice %arg3[%mul3A_4, %dma_wait3A_335] : memref<512x128xi32, #tpu.memory_space<hbm>> -> memref<16x128xi32, #tpu.memory_space<hbm>>
      %dma_wait3A_337 = arith.constant 0 : i32
      %dma_wait3A_338 = tpu.memref_slice %arg3[%mul3A_4, %dma_wait3A_337] : memref<512x128xi32, #tpu.memory_space<hbm>> -> memref<16x128xi32, #tpu.memory_space<hbm>>
      tpu.wait_dma2 semaphore(%run_scoped3A : memref<!tpu.dma_semaphore, #tpu.memory_space<semaphore_mem>>) src(%dma_wait3A_338 : memref<16x128xi32, #tpu.memory_space<hbm>>) dst(%arg6 : memref<16x128xi32, #tpu.memory_space<vmem>>)
      tpu.yield
    }) : () -> ()
    %dma_start3A = arith.constant 0 : i32
    %dma_start3A_5 = arith.constant 0 : i32
    %dma_start3A_6 = arith.constant 0 : i32
    %dma_start3A_7 = tpu.memref_slice %arg7[%dma_start3A_5, %dma_start3A_6] : memref<2048x16xf32, #tpu.memory_space<vmem>> -> memref<128x16xf32, #tpu.memory_space<vmem>>
    %dma_start3A_8 = arith.constant 0 : i32
    %dma_start3A_9 = tpu.memref_slice %arg6[%dma_start3A, %dma_start3A_8] : memref<16x128xi32, #tpu.memory_space<vmem>> -> memref<1x128xi32, #tpu.memory_space<vmem>>
    %dma_start3A_10 = tpu.memref_squeeze %dma_start3A_9 : memref<1x128xi32, #tpu.memory_space<vmem>> -> memref<128xi32, #tpu.memory_space<vmem>>
    %dma_start3A_11 = arith.constant 0 : i32
    %dma_start3A_12 = arith.constant 0 : i32
    %dma_start3A_13 = tpu.memref_slice %arg2[%dma_start3A_11, %dma_start3A_12] : memref<65536x16xf32, #tpu.memory_space<hbm>> -> memref<65536x16xf32, #tpu.memory_space<hbm>>
    tpu.enqueue_indirect_dma source(%dma_start3A_13 : memref<65536x16xf32, #tpu.memory_space<hbm>>) target(%dma_start3A_7 : memref<128x16xf32, #tpu.memory_space<vmem>>) offsets(%dma_start3A_10 : memref<128xi32, #tpu.memory_space<vmem>>) semaphore(%arg9 : memref<!tpu.dma_semaphore, #tpu.memory_space<semaphore_mem>>)
    %dma_start3A_14 = arith.constant 1 : i32
    %dma_start3A_15 = arith.constant 128 : i32
    %dma_start3A_16 = arith.constant 0 : i32
    %dma_start3A_17 = tpu.memref_slice %arg7[%dma_start3A_15, %dma_start3A_16] : memref<2048x16xf32, #tpu.memory_space<vmem>> -> memref<128x16xf32, #tpu.memory_space<vmem>>
    %dma_start3A_18 = arith.constant 0 : i32
    %dma_start3A_19 = tpu.memref_slice %arg6[%dma_start3A_14, %dma_start3A_18] : memref<16x128xi32, #tpu.memory_space<vmem>> -> memref<1x128xi32, #tpu.memory_space<vmem>>
    %dma_start3A_20 = tpu.memref_squeeze %dma_start3A_19 : memref<1x128xi32, #tpu.memory_space<vmem>> -> memref<128xi32, #tpu.memory_space<vmem>>
    %dma_start3A_21 = arith.constant 0 : i32
    %dma_start3A_22 = arith.constant 0 : i32
    %dma_start3A_23 = tpu.memref_slice %arg2[%dma_start3A_21, %dma_start3A_22] : memref<65536x16xf32, #tpu.memory_space<hbm>> -> memref<65536x16xf32, #tpu.memory_space<hbm>>
    tpu.enqueue_indirect_dma source(%dma_start3A_23 : memref<65536x16xf32, #tpu.memory_space<hbm>>) target(%dma_start3A_17 : memref<128x16xf32, #tpu.memory_space<vmem>>) offsets(%dma_start3A_20 : memref<128xi32, #tpu.memory_space<vmem>>) semaphore(%arg9 : memref<!tpu.dma_semaphore, #tpu.memory_space<semaphore_mem>>)
    %dma_start3A_24 = arith.constant 2 : i32
    %dma_start3A_25 = arith.constant 256 : i32
    %dma_start3A_26 = arith.constant 0 : i32
    %dma_start3A_27 = tpu.memref_slice %arg7[%dma_start3A_25, %dma_start3A_26] : memref<2048x16xf32, #tpu.memory_space<vmem>> -> memref<128x16xf32, #tpu.memory_space<vmem>>
    %dma_start3A_28 = arith.constant 0 : i32
    %dma_start3A_29 = tpu.memref_slice %arg6[%dma_start3A_24, %dma_start3A_28] : memref<16x128xi32, #tpu.memory_space<vmem>> -> memref<1x128xi32, #tpu.memory_space<vmem>>
    %dma_start3A_30 = tpu.memref_squeeze %dma_start3A_29 : memref<1x128xi32, #tpu.memory_space<vmem>> -> memref<128xi32, #tpu.memory_space<vmem>>
    %dma_start3A_31 = arith.constant 0 : i32
    %dma_start3A_32 = arith.constant 0 : i32
    %dma_start3A_33 = tpu.memref_slice %arg2[%dma_start3A_31, %dma_start3A_32] : memref<65536x16xf32, #tpu.memory_space<hbm>> -> memref<65536x16xf32, #tpu.memory_space<hbm>>
    tpu.enqueue_indirect_dma source(%dma_start3A_33 : memref<65536x16xf32, #tpu.memory_space<hbm>>) target(%dma_start3A_27 : memref<128x16xf32, #tpu.memory_space<vmem>>) offsets(%dma_start3A_30 : memref<128xi32, #tpu.memory_space<vmem>>) semaphore(%arg9 : memref<!tpu.dma_semaphore, #tpu.memory_space<semaphore_mem>>)
    %dma_start3A_34 = arith.constant 3 : i32
    %dma_start3A_35 = arith.constant 384 : i32
    %dma_start3A_36 = arith.constant 0 : i32
    %dma_start3A_37 = tpu.memref_slice %arg7[%dma_start3A_35, %dma_start3A_36] : memref<2048x16xf32, #tpu.memory_space<vmem>> -> memref<128x16xf32, #tpu.memory_space<vmem>>
    %dma_start3A_38 = arith.constant 0 : i32
    %dma_start3A_39 = tpu.memref_slice %arg6[%dma_start3A_34, %dma_start3A_38] : memref<16x128xi32, #tpu.memory_space<vmem>> -> memref<1x128xi32, #tpu.memory_space<vmem>>
    %dma_start3A_40 = tpu.memref_squeeze %dma_start3A_39 : memref<1x128xi32, #tpu.memory_space<vmem>> -> memref<128xi32, #tpu.memory_space<vmem>>
    %dma_start3A_41 = arith.constant 0 : i32
    %dma_start3A_42 = arith.constant 0 : i32
    %dma_start3A_43 = tpu.memref_slice %arg2[%dma_start3A_41, %dma_start3A_42] : memref<65536x16xf32, #tpu.memory_space<hbm>> -> memref<65536x16xf32, #tpu.memory_space<hbm>>
    tpu.enqueue_indirect_dma source(%dma_start3A_43 : memref<65536x16xf32, #tpu.memory_space<hbm>>) target(%dma_start3A_37 : memref<128x16xf32, #tpu.memory_space<vmem>>) offsets(%dma_start3A_40 : memref<128xi32, #tpu.memory_space<vmem>>) semaphore(%arg9 : memref<!tpu.dma_semaphore, #tpu.memory_space<semaphore_mem>>)
    %dma_start3A_44 = arith.constant 4 : i32
    %dma_start3A_45 = arith.constant 512 : i32
    %dma_start3A_46 = arith.constant 0 : i32
    %dma_start3A_47 = tpu.memref_slice %arg7[%dma_start3A_45, %dma_start3A_46] : memref<2048x16xf32, #tpu.memory_space<vmem>> -> memref<128x16xf32, #tpu.memory_space<vmem>>
    %dma_start3A_48 = arith.constant 0 : i32
    %dma_start3A_49 = tpu.memref_slice %arg6[%dma_start3A_44, %dma_start3A_48] : memref<16x128xi32, #tpu.memory_space<vmem>> -> memref<1x128xi32, #tpu.memory_space<vmem>>
    %dma_start3A_50 = tpu.memref_squeeze %dma_start3A_49 : memref<1x128xi32, #tpu.memory_space<vmem>> -> memref<128xi32, #tpu.memory_space<vmem>>
    %dma_start3A_51 = arith.constant 0 : i32
    %dma_start3A_52 = arith.constant 0 : i32
    %dma_start3A_53 = tpu.memref_slice %arg2[%dma_start3A_51, %dma_start3A_52] : memref<65536x16xf32, #tpu.memory_space<hbm>> -> memref<65536x16xf32, #tpu.memory_space<hbm>>
    tpu.enqueue_indirect_dma source(%dma_start3A_53 : memref<65536x16xf32, #tpu.memory_space<hbm>>) target(%dma_start3A_47 : memref<128x16xf32, #tpu.memory_space<vmem>>) offsets(%dma_start3A_50 : memref<128xi32, #tpu.memory_space<vmem>>) semaphore(%arg9 : memref<!tpu.dma_semaphore, #tpu.memory_space<semaphore_mem>>)
    %dma_start3A_54 = arith.constant 5 : i32
    %dma_start3A_55 = arith.constant 640 : i32
    %dma_start3A_56 = arith.constant 0 : i32
    %dma_start3A_57 = tpu.memref_slice %arg7[%dma_start3A_55, %dma_start3A_56] : memref<2048x16xf32, #tpu.memory_space<vmem>> -> memref<128x16xf32, #tpu.memory_space<vmem>>
    %dma_start3A_58 = arith.constant 0 : i32
    %dma_start3A_59 = tpu.memref_slice %arg6[%dma_start3A_54, %dma_start3A_58] : memref<16x128xi32, #tpu.memory_space<vmem>> -> memref<1x128xi32, #tpu.memory_space<vmem>>
    %dma_start3A_60 = tpu.memref_squeeze %dma_start3A_59 : memref<1x128xi32, #tpu.memory_space<vmem>> -> memref<128xi32, #tpu.memory_space<vmem>>
    %dma_start3A_61 = arith.constant 0 : i32
    %dma_start3A_62 = arith.constant 0 : i32
    %dma_start3A_63 = tpu.memref_slice %arg2[%dma_start3A_61, %dma_start3A_62] : memref<65536x16xf32, #tpu.memory_space<hbm>> -> memref<65536x16xf32, #tpu.memory_space<hbm>>
    tpu.enqueue_indirect_dma source(%dma_start3A_63 : memref<65536x16xf32, #tpu.memory_space<hbm>>) target(%dma_start3A_57 : memref<128x16xf32, #tpu.memory_space<vmem>>) offsets(%dma_start3A_60 : memref<128xi32, #tpu.memory_space<vmem>>) semaphore(%arg9 : memref<!tpu.dma_semaphore, #tpu.memory_space<semaphore_mem>>)
    %dma_start3A_64 = arith.constant 6 : i32
    %dma_start3A_65 = arith.constant 768 : i32
    %dma_start3A_66 = arith.constant 0 : i32
    %dma_start3A_67 = tpu.memref_slice %arg7[%dma_start3A_65, %dma_start3A_66] : memref<2048x16xf32, #tpu.memory_space<vmem>> -> memref<128x16xf32, #tpu.memory_space<vmem>>
    %dma_start3A_68 = arith.constant 0 : i32
    %dma_start3A_69 = tpu.memref_slice %arg6[%dma_start3A_64, %dma_start3A_68] : memref<16x128xi32, #tpu.memory_space<vmem>> -> memref<1x128xi32, #tpu.memory_space<vmem>>
    %dma_start3A_70 = tpu.memref_squeeze %dma_start3A_69 : memref<1x128xi32, #tpu.memory_space<vmem>> -> memref<128xi32, #tpu.memory_space<vmem>>
    %dma_start3A_71 = arith.constant 0 : i32
    %dma_start3A_72 = arith.constant 0 : i32
    %dma_start3A_73 = tpu.memref_slice %arg2[%dma_start3A_71, %dma_start3A_72] : memref<65536x16xf32, #tpu.memory_space<hbm>> -> memref<65536x16xf32, #tpu.memory_space<hbm>>
    tpu.enqueue_indirect_dma source(%dma_start3A_73 : memref<65536x16xf32, #tpu.memory_space<hbm>>) target(%dma_start3A_67 : memref<128x16xf32, #tpu.memory_space<vmem>>) offsets(%dma_start3A_70 : memref<128xi32, #tpu.memory_space<vmem>>) semaphore(%arg9 : memref<!tpu.dma_semaphore, #tpu.memory_space<semaphore_mem>>)
    %dma_start3A_74 = arith.constant 7 : i32
    %dma_start3A_75 = arith.constant 896 : i32
    %dma_start3A_76 = arith.constant 0 : i32
    %dma_start3A_77 = tpu.memref_slice %arg7[%dma_start3A_75, %dma_start3A_76] : memref<2048x16xf32, #tpu.memory_space<vmem>> -> memref<128x16xf32, #tpu.memory_space<vmem>>
    %dma_start3A_78 = arith.constant 0 : i32
    %dma_start3A_79 = tpu.memref_slice %arg6[%dma_start3A_74, %dma_start3A_78] : memref<16x128xi32, #tpu.memory_space<vmem>> -> memref<1x128xi32, #tpu.memory_space<vmem>>
    %dma_start3A_80 = tpu.memref_squeeze %dma_start3A_79 : memref<1x128xi32, #tpu.memory_space<vmem>> -> memref<128xi32, #tpu.memory_space<vmem>>
    %dma_start3A_81 = arith.constant 0 : i32
    %dma_start3A_82 = arith.constant 0 : i32
    %dma_start3A_83 = tpu.memref_slice %arg2[%dma_start3A_81, %dma_start3A_82] : memref<65536x16xf32, #tpu.memory_space<hbm>> -> memref<65536x16xf32, #tpu.memory_space<hbm>>
    tpu.enqueue_indirect_dma source(%dma_start3A_83 : memref<65536x16xf32, #tpu.memory_space<hbm>>) target(%dma_start3A_77 : memref<128x16xf32, #tpu.memory_space<vmem>>) offsets(%dma_start3A_80 : memref<128xi32, #tpu.memory_space<vmem>>) semaphore(%arg9 : memref<!tpu.dma_semaphore, #tpu.memory_space<semaphore_mem>>)
    %dma_start3A_84 = arith.constant 8 : i32
    %dma_start3A_85 = arith.constant 1024 : i32
    %dma_start3A_86 = arith.constant 0 : i32
    %dma_start3A_87 = tpu.memref_slice %arg7[%dma_start3A_85, %dma_start3A_86] : memref<2048x16xf32, #tpu.memory_space<vmem>> -> memref<128x16xf32, #tpu.memory_space<vmem>>
    %dma_start3A_88 = arith.constant 0 : i32
    %dma_start3A_89 = tpu.memref_slice %arg6[%dma_start3A_84, %dma_start3A_88] : memref<16x128xi32, #tpu.memory_space<vmem>> -> memref<1x128xi32, #tpu.memory_space<vmem>>
    %dma_start3A_90 = tpu.memref_squeeze %dma_start3A_89 : memref<1x128xi32, #tpu.memory_space<vmem>> -> memref<128xi32, #tpu.memory_space<vmem>>
    %dma_start3A_91 = arith.constant 0 : i32
    %dma_start3A_92 = arith.constant 0 : i32
    %dma_start3A_93 = tpu.memref_slice %arg2[%dma_start3A_91, %dma_start3A_92] : memref<65536x16xf32, #tpu.memory_space<hbm>> -> memref<65536x16xf32, #tpu.memory_space<hbm>>
    tpu.enqueue_indirect_dma source(%dma_start3A_93 : memref<65536x16xf32, #tpu.memory_space<hbm>>) target(%dma_start3A_87 : memref<128x16xf32, #tpu.memory_space<vmem>>) offsets(%dma_start3A_90 : memref<128xi32, #tpu.memory_space<vmem>>) semaphore(%arg9 : memref<!tpu.dma_semaphore, #tpu.memory_space<semaphore_mem>>)
    %dma_start3A_94 = arith.constant 9 : i32
    %dma_start3A_95 = arith.constant 1152 : i32
    %dma_start3A_96 = arith.constant 0 : i32
    %dma_start3A_97 = tpu.memref_slice %arg7[%dma_start3A_95, %dma_start3A_96] : memref<2048x16xf32, #tpu.memory_space<vmem>> -> memref<128x16xf32, #tpu.memory_space<vmem>>
    %dma_start3A_98 = arith.constant 0 : i32
    %dma_start3A_99 = tpu.memref_slice %arg6[%dma_start3A_94, %dma_start3A_98] : memref<16x128xi32, #tpu.memory_space<vmem>> -> memref<1x128xi32, #tpu.memory_space<vmem>>
    %dma_start3A_100 = tpu.memref_squeeze %dma_start3A_99 : memref<1x128xi32, #tpu.memory_space<vmem>> -> memref<128xi32, #tpu.memory_space<vmem>>
    %dma_start3A_101 = arith.constant 0 : i32
    %dma_start3A_102 = arith.constant 0 : i32
    %dma_start3A_103 = tpu.memref_slice %arg2[%dma_start3A_101, %dma_start3A_102] : memref<65536x16xf32, #tpu.memory_space<hbm>> -> memref<65536x16xf32, #tpu.memory_space<hbm>>
    tpu.enqueue_indirect_dma source(%dma_start3A_103 : memref<65536x16xf32, #tpu.memory_space<hbm>>) target(%dma_start3A_97 : memref<128x16xf32, #tpu.memory_space<vmem>>) offsets(%dma_start3A_100 : memref<128xi32, #tpu.memory_space<vmem>>) semaphore(%arg9 : memref<!tpu.dma_semaphore, #tpu.memory_space<semaphore_mem>>)
    %dma_start3A_104 = arith.constant 10 : i32
    %dma_start3A_105 = arith.constant 1280 : i32
    %dma_start3A_106 = arith.constant 0 : i32
    %dma_start3A_107 = tpu.memref_slice %arg7[%dma_start3A_105, %dma_start3A_106] : memref<2048x16xf32, #tpu.memory_space<vmem>> -> memref<128x16xf32, #tpu.memory_space<vmem>>
    %dma_start3A_108 = arith.constant 0 : i32
    %dma_start3A_109 = tpu.memref_slice %arg6[%dma_start3A_104, %dma_start3A_108] : memref<16x128xi32, #tpu.memory_space<vmem>> -> memref<1x128xi32, #tpu.memory_space<vmem>>
    %dma_start3A_110 = tpu.memref_squeeze %dma_start3A_109 : memref<1x128xi32, #tpu.memory_space<vmem>> -> memref<128xi32, #tpu.memory_space<vmem>>
    %dma_start3A_111 = arith.constant 0 : i32
    %dma_start3A_112 = arith.constant 0 : i32
    %dma_start3A_113 = tpu.memref_slice %arg2[%dma_start3A_111, %dma_start3A_112] : memref<65536x16xf32, #tpu.memory_space<hbm>> -> memref<65536x16xf32, #tpu.memory_space<hbm>>
    tpu.enqueue_indirect_dma source(%dma_start3A_113 : memref<65536x16xf32, #tpu.memory_space<hbm>>) target(%dma_start3A_107 : memref<128x16xf32, #tpu.memory_space<vmem>>) offsets(%dma_start3A_110 : memref<128xi32, #tpu.memory_space<vmem>>) semaphore(%arg9 : memref<!tpu.dma_semaphore, #tpu.memory_space<semaphore_mem>>)
    %dma_start3A_114 = arith.constant 11 : i32
    %dma_start3A_115 = arith.constant 1408 : i32
    %dma_start3A_116 = arith.constant 0 : i32
    %dma_start3A_117 = tpu.memref_slice %arg7[%dma_start3A_115, %dma_start3A_116] : memref<2048x16xf32, #tpu.memory_space<vmem>> -> memref<128x16xf32, #tpu.memory_space<vmem>>
    %dma_start3A_118 = arith.constant 0 : i32
    %dma_start3A_119 = tpu.memref_slice %arg6[%dma_start3A_114, %dma_start3A_118] : memref<16x128xi32, #tpu.memory_space<vmem>> -> memref<1x128xi32, #tpu.memory_space<vmem>>
    %dma_start3A_120 = tpu.memref_squeeze %dma_start3A_119 : memref<1x128xi32, #tpu.memory_space<vmem>> -> memref<128xi32, #tpu.memory_space<vmem>>
    %dma_start3A_121 = arith.constant 0 : i32
    %dma_start3A_122 = arith.constant 0 : i32
    %dma_start3A_123 = tpu.memref_slice %arg2[%dma_start3A_121, %dma_start3A_122] : memref<65536x16xf32, #tpu.memory_space<hbm>> -> memref<65536x16xf32, #tpu.memory_space<hbm>>
    tpu.enqueue_indirect_dma source(%dma_start3A_123 : memref<65536x16xf32, #tpu.memory_space<hbm>>) target(%dma_start3A_117 : memref<128x16xf32, #tpu.memory_space<vmem>>) offsets(%dma_start3A_120 : memref<128xi32, #tpu.memory_space<vmem>>) semaphore(%arg9 : memref<!tpu.dma_semaphore, #tpu.memory_space<semaphore_mem>>)
    %dma_start3A_124 = arith.constant 12 : i32
    %dma_start3A_125 = arith.constant 1536 : i32
    %dma_start3A_126 = arith.constant 0 : i32
    %dma_start3A_127 = tpu.memref_slice %arg7[%dma_start3A_125, %dma_start3A_126] : memref<2048x16xf32, #tpu.memory_space<vmem>> -> memref<128x16xf32, #tpu.memory_space<vmem>>
    %dma_start3A_128 = arith.constant 0 : i32
    %dma_start3A_129 = tpu.memref_slice %arg6[%dma_start3A_124, %dma_start3A_128] : memref<16x128xi32, #tpu.memory_space<vmem>> -> memref<1x128xi32, #tpu.memory_space<vmem>>
    %dma_start3A_130 = tpu.memref_squeeze %dma_start3A_129 : memref<1x128xi32, #tpu.memory_space<vmem>> -> memref<128xi32, #tpu.memory_space<vmem>>
    %dma_start3A_131 = arith.constant 0 : i32
    %dma_start3A_132 = arith.constant 0 : i32
    %dma_start3A_133 = tpu.memref_slice %arg2[%dma_start3A_131, %dma_start3A_132] : memref<65536x16xf32, #tpu.memory_space<hbm>> -> memref<65536x16xf32, #tpu.memory_space<hbm>>
    tpu.enqueue_indirect_dma source(%dma_start3A_133 : memref<65536x16xf32, #tpu.memory_space<hbm>>) target(%dma_start3A_127 : memref<128x16xf32, #tpu.memory_space<vmem>>) offsets(%dma_start3A_130 : memref<128xi32, #tpu.memory_space<vmem>>) semaphore(%arg9 : memref<!tpu.dma_semaphore, #tpu.memory_space<semaphore_mem>>)
    %dma_start3A_134 = arith.constant 13 : i32
    %dma_start3A_135 = arith.constant 1664 : i32
    %dma_start3A_136 = arith.constant 0 : i32
    %dma_start3A_137 = tpu.memref_slice %arg7[%dma_start3A_135, %dma_start3A_136] : memref<2048x16xf32, #tpu.memory_space<vmem>> -> memref<128x16xf32, #tpu.memory_space<vmem>>
    %dma_start3A_138 = arith.constant 0 : i32
    %dma_start3A_139 = tpu.memref_slice %arg6[%dma_start3A_134, %dma_start3A_138] : memref<16x128xi32, #tpu.memory_space<vmem>> -> memref<1x128xi32, #tpu.memory_space<vmem>>
    %dma_start3A_140 = tpu.memref_squeeze %dma_start3A_139 : memref<1x128xi32, #tpu.memory_space<vmem>> -> memref<128xi32, #tpu.memory_space<vmem>>
    %dma_start3A_141 = arith.constant 0 : i32
    %dma_start3A_142 = arith.constant 0 : i32
    %dma_start3A_143 = tpu.memref_slice %arg2[%dma_start3A_141, %dma_start3A_142] : memref<65536x16xf32, #tpu.memory_space<hbm>> -> memref<65536x16xf32, #tpu.memory_space<hbm>>
    tpu.enqueue_indirect_dma source(%dma_start3A_143 : memref<65536x16xf32, #tpu.memory_space<hbm>>) target(%dma_start3A_137 : memref<128x16xf32, #tpu.memory_space<vmem>>) offsets(%dma_start3A_140 : memref<128xi32, #tpu.memory_space<vmem>>) semaphore(%arg9 : memref<!tpu.dma_semaphore, #tpu.memory_space<semaphore_mem>>)
    %dma_start3A_144 = arith.constant 14 : i32
    %dma_start3A_145 = arith.constant 1792 : i32
    %dma_start3A_146 = arith.constant 0 : i32
    %dma_start3A_147 = tpu.memref_slice %arg7[%dma_start3A_145, %dma_start3A_146] : memref<2048x16xf32, #tpu.memory_space<vmem>> -> memref<128x16xf32, #tpu.memory_space<vmem>>
    %dma_start3A_148 = arith.constant 0 : i32
    %dma_start3A_149 = tpu.memref_slice %arg6[%dma_start3A_144, %dma_start3A_148] : memref<16x128xi32, #tpu.memory_space<vmem>> -> memref<1x128xi32, #tpu.memory_space<vmem>>
    %dma_start3A_150 = tpu.memref_squeeze %dma_start3A_149 : memref<1x128xi32, #tpu.memory_space<vmem>> -> memref<128xi32, #tpu.memory_space<vmem>>
    %dma_start3A_151 = arith.constant 0 : i32
    %dma_start3A_152 = arith.constant 0 : i32
    %dma_start3A_153 = tpu.memref_slice %arg2[%dma_start3A_151, %dma_start3A_152] : memref<65536x16xf32, #tpu.memory_space<hbm>> -> memref<65536x16xf32, #tpu.memory_space<hbm>>
    tpu.enqueue_indirect_dma source(%dma_start3A_153 : memref<65536x16xf32, #tpu.memory_space<hbm>>) target(%dma_start3A_147 : memref<128x16xf32, #tpu.memory_space<vmem>>) offsets(%dma_start3A_150 : memref<128xi32, #tpu.memory_space<vmem>>) semaphore(%arg9 : memref<!tpu.dma_semaphore, #tpu.memory_space<semaphore_mem>>)
    %dma_start3A_154 = arith.constant 15 : i32
    %dma_start3A_155 = arith.constant 1920 : i32
    %dma_start3A_156 = arith.constant 0 : i32
    %dma_start3A_157 = tpu.memref_slice %arg7[%dma_start3A_155, %dma_start3A_156] : memref<2048x16xf32, #tpu.memory_space<vmem>> -> memref<128x16xf32, #tpu.memory_space<vmem>>
    %dma_start3A_158 = arith.constant 0 : i32
    %dma_start3A_159 = tpu.memref_slice %arg6[%dma_start3A_154, %dma_start3A_158] : memref<16x128xi32, #tpu.memory_space<vmem>> -> memref<1x128xi32, #tpu.memory_space<vmem>>
    %dma_start3A_160 = tpu.memref_squeeze %dma_start3A_159 : memref<1x128xi32, #tpu.memory_space<vmem>> -> memref<128xi32, #tpu.memory_space<vmem>>
    %dma_start3A_161 = arith.constant 0 : i32
    %dma_start3A_162 = arith.constant 0 : i32
    %dma_start3A_163 = tpu.memref_slice %arg2[%dma_start3A_161, %dma_start3A_162] : memref<65536x16xf32, #tpu.memory_space<hbm>> -> memref<65536x16xf32, #tpu.memory_space<hbm>>
    tpu.enqueue_indirect_dma source(%dma_start3A_163 : memref<65536x16xf32, #tpu.memory_space<hbm>>) target(%dma_start3A_157 : memref<128x16xf32, #tpu.memory_space<vmem>>) offsets(%dma_start3A_160 : memref<128xi32, #tpu.memory_space<vmem>>) semaphore(%arg9 : memref<!tpu.dma_semaphore, #tpu.memory_space<semaphore_mem>>)
    %dma_wait3A = arith.constant 0 : i32
    %dma_wait3A_164 = arith.constant 0 : i32
    %dma_wait3A_165 = arith.constant 0 : i32
    %dma_wait3A_166 = tpu.memref_slice %arg7[%dma_wait3A_164, %dma_wait3A_165] : memref<2048x16xf32, #tpu.memory_space<vmem>> -> memref<128x16xf32, #tpu.memory_space<vmem>>
    %dma_wait3A_167 = arith.constant 0 : i32
    %dma_wait3A_168 = tpu.memref_slice %arg6[%dma_wait3A, %dma_wait3A_167] : memref<16x128xi32, #tpu.memory_space<vmem>> -> memref<1x128xi32, #tpu.memory_space<vmem>>
    %dma_wait3A_169 = tpu.memref_squeeze %dma_wait3A_168 : memref<1x128xi32, #tpu.memory_space<vmem>> -> memref<128xi32, #tpu.memory_space<vmem>>
    %dma_wait3A_170 = arith.constant 0 : i32
    %dma_wait3A_171 = arith.constant 0 : i32
    %dma_wait3A_172 = tpu.memref_slice %arg2[%dma_wait3A_170, %dma_wait3A_171] : memref<65536x16xf32, #tpu.memory_space<hbm>> -> memref<65536x16xf32, #tpu.memory_space<hbm>>
    tpu.wait_indirect_dma semaphore(%arg9 : memref<!tpu.dma_semaphore, #tpu.memory_space<semaphore_mem>>) src(%dma_wait3A_172 : memref<65536x16xf32, #tpu.memory_space<hbm>>) dst(%dma_wait3A_166 : memref<128x16xf32, #tpu.memory_space<vmem>>)
    %dma_wait3A_173 = arith.constant 1 : i32
    %dma_wait3A_174 = arith.constant 128 : i32
    %dma_wait3A_175 = arith.constant 0 : i32
    %dma_wait3A_176 = tpu.memref_slice %arg7[%dma_wait3A_174, %dma_wait3A_175] : memref<2048x16xf32, #tpu.memory_space<vmem>> -> memref<128x16xf32, #tpu.memory_space<vmem>>
    %dma_wait3A_177 = arith.constant 0 : i32
    %dma_wait3A_178 = tpu.memref_slice %arg6[%dma_wait3A_173, %dma_wait3A_177] : memref<16x128xi32, #tpu.memory_space<vmem>> -> memref<1x128xi32, #tpu.memory_space<vmem>>
    %dma_wait3A_179 = tpu.memref_squeeze %dma_wait3A_178 : memref<1x128xi32, #tpu.memory_space<vmem>> -> memref<128xi32, #tpu.memory_space<vmem>>
    %dma_wait3A_180 = arith.constant 0 : i32
    %dma_wait3A_181 = arith.constant 0 : i32
    %dma_wait3A_182 = tpu.memref_slice %arg2[%dma_wait3A_180, %dma_wait3A_181] : memref<65536x16xf32, #tpu.memory_space<hbm>> -> memref<65536x16xf32, #tpu.memory_space<hbm>>
    tpu.wait_indirect_dma semaphore(%arg9 : memref<!tpu.dma_semaphore, #tpu.memory_space<semaphore_mem>>) src(%dma_wait3A_182 : memref<65536x16xf32, #tpu.memory_space<hbm>>) dst(%dma_wait3A_176 : memref<128x16xf32, #tpu.memory_space<vmem>>)
    %dma_wait3A_183 = arith.constant 2 : i32
    %dma_wait3A_184 = arith.constant 256 : i32
    %dma_wait3A_185 = arith.constant 0 : i32
    %dma_wait3A_186 = tpu.memref_slice %arg7[%dma_wait3A_184, %dma_wait3A_185] : memref<2048x16xf32, #tpu.memory_space<vmem>> -> memref<128x16xf32, #tpu.memory_space<vmem>>
    %dma_wait3A_187 = arith.constant 0 : i32
    %dma_wait3A_188 = tpu.memref_slice %arg6[%dma_wait3A_183, %dma_wait3A_187] : memref<16x128xi32, #tpu.memory_space<vmem>> -> memref<1x128xi32, #tpu.memory_space<vmem>>
    %dma_wait3A_189 = tpu.memref_squeeze %dma_wait3A_188 : memref<1x128xi32, #tpu.memory_space<vmem>> -> memref<128xi32, #tpu.memory_space<vmem>>
    %dma_wait3A_190 = arith.constant 0 : i32
    %dma_wait3A_191 = arith.constant 0 : i32
    %dma_wait3A_192 = tpu.memref_slice %arg2[%dma_wait3A_190, %dma_wait3A_191] : memref<65536x16xf32, #tpu.memory_space<hbm>> -> memref<65536x16xf32, #tpu.memory_space<hbm>>
    tpu.wait_indirect_dma semaphore(%arg9 : memref<!tpu.dma_semaphore, #tpu.memory_space<semaphore_mem>>) src(%dma_wait3A_192 : memref<65536x16xf32, #tpu.memory_space<hbm>>) dst(%dma_wait3A_186 : memref<128x16xf32, #tpu.memory_space<vmem>>)
    %dma_wait3A_193 = arith.constant 3 : i32
    %dma_wait3A_194 = arith.constant 384 : i32
    %dma_wait3A_195 = arith.constant 0 : i32
    %dma_wait3A_196 = tpu.memref_slice %arg7[%dma_wait3A_194, %dma_wait3A_195] : memref<2048x16xf32, #tpu.memory_space<vmem>> -> memref<128x16xf32, #tpu.memory_space<vmem>>
    %dma_wait3A_197 = arith.constant 0 : i32
    %dma_wait3A_198 = tpu.memref_slice %arg6[%dma_wait3A_193, %dma_wait3A_197] : memref<16x128xi32, #tpu.memory_space<vmem>> -> memref<1x128xi32, #tpu.memory_space<vmem>>
    %dma_wait3A_199 = tpu.memref_squeeze %dma_wait3A_198 : memref<1x128xi32, #tpu.memory_space<vmem>> -> memref<128xi32, #tpu.memory_space<vmem>>
    %dma_wait3A_200 = arith.constant 0 : i32
    %dma_wait3A_201 = arith.constant 0 : i32
    %dma_wait3A_202 = tpu.memref_slice %arg2[%dma_wait3A_200, %dma_wait3A_201] : memref<65536x16xf32, #tpu.memory_space<hbm>> -> memref<65536x16xf32, #tpu.memory_space<hbm>>
    tpu.wait_indirect_dma semaphore(%arg9 : memref<!tpu.dma_semaphore, #tpu.memory_space<semaphore_mem>>) src(%dma_wait3A_202 : memref<65536x16xf32, #tpu.memory_space<hbm>>) dst(%dma_wait3A_196 : memref<128x16xf32, #tpu.memory_space<vmem>>)
    %dma_wait3A_203 = arith.constant 4 : i32
    %dma_wait3A_204 = arith.constant 512 : i32
    %dma_wait3A_205 = arith.constant 0 : i32
    %dma_wait3A_206 = tpu.memref_slice %arg7[%dma_wait3A_204, %dma_wait3A_205] : memref<2048x16xf32, #tpu.memory_space<vmem>> -> memref<128x16xf32, #tpu.memory_space<vmem>>
    %dma_wait3A_207 = arith.constant 0 : i32
    %dma_wait3A_208 = tpu.memref_slice %arg6[%dma_wait3A_203, %dma_wait3A_207] : memref<16x128xi32, #tpu.memory_space<vmem>> -> memref<1x128xi32, #tpu.memory_space<vmem>>
    %dma_wait3A_209 = tpu.memref_squeeze %dma_wait3A_208 : memref<1x128xi32, #tpu.memory_space<vmem>> -> memref<128xi32, #tpu.memory_space<vmem>>
    %dma_wait3A_210 = arith.constant 0 : i32
    %dma_wait3A_211 = arith.constant 0 : i32
    %dma_wait3A_212 = tpu.memref_slice %arg2[%dma_wait3A_210, %dma_wait3A_211] : memref<65536x16xf32, #tpu.memory_space<hbm>> -> memref<65536x16xf32, #tpu.memory_space<hbm>>
    tpu.wait_indirect_dma semaphore(%arg9 : memref<!tpu.dma_semaphore, #tpu.memory_space<semaphore_mem>>) src(%dma_wait3A_212 : memref<65536x16xf32, #tpu.memory_space<hbm>>) dst(%dma_wait3A_206 : memref<128x16xf32, #tpu.memory_space<vmem>>)
    %dma_wait3A_213 = arith.constant 5 : i32
    %dma_wait3A_214 = arith.constant 640 : i32
    %dma_wait3A_215 = arith.constant 0 : i32
    %dma_wait3A_216 = tpu.memref_slice %arg7[%dma_wait3A_214, %dma_wait3A_215] : memref<2048x16xf32, #tpu.memory_space<vmem>> -> memref<128x16xf32, #tpu.memory_space<vmem>>
    %dma_wait3A_217 = arith.constant 0 : i32
    %dma_wait3A_218 = tpu.memref_slice %arg6[%dma_wait3A_213, %dma_wait3A_217] : memref<16x128xi32, #tpu.memory_space<vmem>> -> memref<1x128xi32, #tpu.memory_space<vmem>>
    %dma_wait3A_219 = tpu.memref_squeeze %dma_wait3A_218 : memref<1x128xi32, #tpu.memory_space<vmem>> -> memref<128xi32, #tpu.memory_space<vmem>>
    %dma_wait3A_220 = arith.constant 0 : i32
    %dma_wait3A_221 = arith.constant 0 : i32
    %dma_wait3A_222 = tpu.memref_slice %arg2[%dma_wait3A_220, %dma_wait3A_221] : memref<65536x16xf32, #tpu.memory_space<hbm>> -> memref<65536x16xf32, #tpu.memory_space<hbm>>
    tpu.wait_indirect_dma semaphore(%arg9 : memref<!tpu.dma_semaphore, #tpu.memory_space<semaphore_mem>>) src(%dma_wait3A_222 : memref<65536x16xf32, #tpu.memory_space<hbm>>) dst(%dma_wait3A_216 : memref<128x16xf32, #tpu.memory_space<vmem>>)
    %dma_wait3A_223 = arith.constant 6 : i32
    %dma_wait3A_224 = arith.constant 768 : i32
    %dma_wait3A_225 = arith.constant 0 : i32
    %dma_wait3A_226 = tpu.memref_slice %arg7[%dma_wait3A_224, %dma_wait3A_225] : memref<2048x16xf32, #tpu.memory_space<vmem>> -> memref<128x16xf32, #tpu.memory_space<vmem>>
    %dma_wait3A_227 = arith.constant 0 : i32
    %dma_wait3A_228 = tpu.memref_slice %arg6[%dma_wait3A_223, %dma_wait3A_227] : memref<16x128xi32, #tpu.memory_space<vmem>> -> memref<1x128xi32, #tpu.memory_space<vmem>>
    %dma_wait3A_229 = tpu.memref_squeeze %dma_wait3A_228 : memref<1x128xi32, #tpu.memory_space<vmem>> -> memref<128xi32, #tpu.memory_space<vmem>>
    %dma_wait3A_230 = arith.constant 0 : i32
    %dma_wait3A_231 = arith.constant 0 : i32
    %dma_wait3A_232 = tpu.memref_slice %arg2[%dma_wait3A_230, %dma_wait3A_231] : memref<65536x16xf32, #tpu.memory_space<hbm>> -> memref<65536x16xf32, #tpu.memory_space<hbm>>
    tpu.wait_indirect_dma semaphore(%arg9 : memref<!tpu.dma_semaphore, #tpu.memory_space<semaphore_mem>>) src(%dma_wait3A_232 : memref<65536x16xf32, #tpu.memory_space<hbm>>) dst(%dma_wait3A_226 : memref<128x16xf32, #tpu.memory_space<vmem>>)
    %dma_wait3A_233 = arith.constant 7 : i32
    %dma_wait3A_234 = arith.constant 896 : i32
    %dma_wait3A_235 = arith.constant 0 : i32
    %dma_wait3A_236 = tpu.memref_slice %arg7[%dma_wait3A_234, %dma_wait3A_235] : memref<2048x16xf32, #tpu.memory_space<vmem>> -> memref<128x16xf32, #tpu.memory_space<vmem>>
    %dma_wait3A_237 = arith.constant 0 : i32
    %dma_wait3A_238 = tpu.memref_slice %arg6[%dma_wait3A_233, %dma_wait3A_237] : memref<16x128xi32, #tpu.memory_space<vmem>> -> memref<1x128xi32, #tpu.memory_space<vmem>>
    %dma_wait3A_239 = tpu.memref_squeeze %dma_wait3A_238 : memref<1x128xi32, #tpu.memory_space<vmem>> -> memref<128xi32, #tpu.memory_space<vmem>>
    %dma_wait3A_240 = arith.constant 0 : i32
    %dma_wait3A_241 = arith.constant 0 : i32
    %dma_wait3A_242 = tpu.memref_slice %arg2[%dma_wait3A_240, %dma_wait3A_241] : memref<65536x16xf32, #tpu.memory_space<hbm>> -> memref<65536x16xf32, #tpu.memory_space<hbm>>
    tpu.wait_indirect_dma semaphore(%arg9 : memref<!tpu.dma_semaphore, #tpu.memory_space<semaphore_mem>>) src(%dma_wait3A_242 : memref<65536x16xf32, #tpu.memory_space<hbm>>) dst(%dma_wait3A_236 : memref<128x16xf32, #tpu.memory_space<vmem>>)
    %dma_wait3A_243 = arith.constant 8 : i32
    %dma_wait3A_244 = arith.constant 1024 : i32
    %dma_wait3A_245 = arith.constant 0 : i32
    %dma_wait3A_246 = tpu.memref_slice %arg7[%dma_wait3A_244, %dma_wait3A_245] : memref<2048x16xf32, #tpu.memory_space<vmem>> -> memref<128x16xf32, #tpu.memory_space<vmem>>
    %dma_wait3A_247 = arith.constant 0 : i32
    %dma_wait3A_248 = tpu.memref_slice %arg6[%dma_wait3A_243, %dma_wait3A_247] : memref<16x128xi32, #tpu.memory_space<vmem>> -> memref<1x128xi32, #tpu.memory_space<vmem>>
    %dma_wait3A_249 = tpu.memref_squeeze %dma_wait3A_248 : memref<1x128xi32, #tpu.memory_space<vmem>> -> memref<128xi32, #tpu.memory_space<vmem>>
    %dma_wait3A_250 = arith.constant 0 : i32
    %dma_wait3A_251 = arith.constant 0 : i32
    %dma_wait3A_252 = tpu.memref_slice %arg2[%dma_wait3A_250, %dma_wait3A_251] : memref<65536x16xf32, #tpu.memory_space<hbm>> -> memref<65536x16xf32, #tpu.memory_space<hbm>>
    tpu.wait_indirect_dma semaphore(%arg9 : memref<!tpu.dma_semaphore, #tpu.memory_space<semaphore_mem>>) src(%dma_wait3A_252 : memref<65536x16xf32, #tpu.memory_space<hbm>>) dst(%dma_wait3A_246 : memref<128x16xf32, #tpu.memory_space<vmem>>)
    %dma_wait3A_253 = arith.constant 9 : i32
    %dma_wait3A_254 = arith.constant 1152 : i32
    %dma_wait3A_255 = arith.constant 0 : i32
    %dma_wait3A_256 = tpu.memref_slice %arg7[%dma_wait3A_254, %dma_wait3A_255] : memref<2048x16xf32, #tpu.memory_space<vmem>> -> memref<128x16xf32, #tpu.memory_space<vmem>>
    %dma_wait3A_257 = arith.constant 0 : i32
    %dma_wait3A_258 = tpu.memref_slice %arg6[%dma_wait3A_253, %dma_wait3A_257] : memref<16x128xi32, #tpu.memory_space<vmem>> -> memref<1x128xi32, #tpu.memory_space<vmem>>
    %dma_wait3A_259 = tpu.memref_squeeze %dma_wait3A_258 : memref<1x128xi32, #tpu.memory_space<vmem>> -> memref<128xi32, #tpu.memory_space<vmem>>
    %dma_wait3A_260 = arith.constant 0 : i32
    %dma_wait3A_261 = arith.constant 0 : i32
    %dma_wait3A_262 = tpu.memref_slice %arg2[%dma_wait3A_260, %dma_wait3A_261] : memref<65536x16xf32, #tpu.memory_space<hbm>> -> memref<65536x16xf32, #tpu.memory_space<hbm>>
    tpu.wait_indirect_dma semaphore(%arg9 : memref<!tpu.dma_semaphore, #tpu.memory_space<semaphore_mem>>) src(%dma_wait3A_262 : memref<65536x16xf32, #tpu.memory_space<hbm>>) dst(%dma_wait3A_256 : memref<128x16xf32, #tpu.memory_space<vmem>>)
    %dma_wait3A_263 = arith.constant 10 : i32
    %dma_wait3A_264 = arith.constant 1280 : i32
    %dma_wait3A_265 = arith.constant 0 : i32
    %dma_wait3A_266 = tpu.memref_slice %arg7[%dma_wait3A_264, %dma_wait3A_265] : memref<2048x16xf32, #tpu.memory_space<vmem>> -> memref<128x16xf32, #tpu.memory_space<vmem>>
    %dma_wait3A_267 = arith.constant 0 : i32
    %dma_wait3A_268 = tpu.memref_slice %arg6[%dma_wait3A_263, %dma_wait3A_267] : memref<16x128xi32, #tpu.memory_space<vmem>> -> memref<1x128xi32, #tpu.memory_space<vmem>>
    %dma_wait3A_269 = tpu.memref_squeeze %dma_wait3A_268 : memref<1x128xi32, #tpu.memory_space<vmem>> -> memref<128xi32, #tpu.memory_space<vmem>>
    %dma_wait3A_270 = arith.constant 0 : i32
    %dma_wait3A_271 = arith.constant 0 : i32
    %dma_wait3A_272 = tpu.memref_slice %arg2[%dma_wait3A_270, %dma_wait3A_271] : memref<65536x16xf32, #tpu.memory_space<hbm>> -> memref<65536x16xf32, #tpu.memory_space<hbm>>
    tpu.wait_indirect_dma semaphore(%arg9 : memref<!tpu.dma_semaphore, #tpu.memory_space<semaphore_mem>>) src(%dma_wait3A_272 : memref<65536x16xf32, #tpu.memory_space<hbm>>) dst(%dma_wait3A_266 : memref<128x16xf32, #tpu.memory_space<vmem>>)
    %dma_wait3A_273 = arith.constant 11 : i32
    %dma_wait3A_274 = arith.constant 1408 : i32
    %dma_wait3A_275 = arith.constant 0 : i32
    %dma_wait3A_276 = tpu.memref_slice %arg7[%dma_wait3A_274, %dma_wait3A_275] : memref<2048x16xf32, #tpu.memory_space<vmem>> -> memref<128x16xf32, #tpu.memory_space<vmem>>
    %dma_wait3A_277 = arith.constant 0 : i32
    %dma_wait3A_278 = tpu.memref_slice %arg6[%dma_wait3A_273, %dma_wait3A_277] : memref<16x128xi32, #tpu.memory_space<vmem>> -> memref<1x128xi32, #tpu.memory_space<vmem>>
    %dma_wait3A_279 = tpu.memref_squeeze %dma_wait3A_278 : memref<1x128xi32, #tpu.memory_space<vmem>> -> memref<128xi32, #tpu.memory_space<vmem>>
    %dma_wait3A_280 = arith.constant 0 : i32
    %dma_wait3A_281 = arith.constant 0 : i32
    %dma_wait3A_282 = tpu.memref_slice %arg2[%dma_wait3A_280, %dma_wait3A_281] : memref<65536x16xf32, #tpu.memory_space<hbm>> -> memref<65536x16xf32, #tpu.memory_space<hbm>>
    tpu.wait_indirect_dma semaphore(%arg9 : memref<!tpu.dma_semaphore, #tpu.memory_space<semaphore_mem>>) src(%dma_wait3A_282 : memref<65536x16xf32, #tpu.memory_space<hbm>>) dst(%dma_wait3A_276 : memref<128x16xf32, #tpu.memory_space<vmem>>)
    %dma_wait3A_283 = arith.constant 12 : i32
    %dma_wait3A_284 = arith.constant 1536 : i32
    %dma_wait3A_285 = arith.constant 0 : i32
    %dma_wait3A_286 = tpu.memref_slice %arg7[%dma_wait3A_284, %dma_wait3A_285] : memref<2048x16xf32, #tpu.memory_space<vmem>> -> memref<128x16xf32, #tpu.memory_space<vmem>>
    %dma_wait3A_287 = arith.constant 0 : i32
    %dma_wait3A_288 = tpu.memref_slice %arg6[%dma_wait3A_283, %dma_wait3A_287] : memref<16x128xi32, #tpu.memory_space<vmem>> -> memref<1x128xi32, #tpu.memory_space<vmem>>
    %dma_wait3A_289 = tpu.memref_squeeze %dma_wait3A_288 : memref<1x128xi32, #tpu.memory_space<vmem>> -> memref<128xi32, #tpu.memory_space<vmem>>
    %dma_wait3A_290 = arith.constant 0 : i32
    %dma_wait3A_291 = arith.constant 0 : i32
    %dma_wait3A_292 = tpu.memref_slice %arg2[%dma_wait3A_290, %dma_wait3A_291] : memref<65536x16xf32, #tpu.memory_space<hbm>> -> memref<65536x16xf32, #tpu.memory_space<hbm>>
    tpu.wait_indirect_dma semaphore(%arg9 : memref<!tpu.dma_semaphore, #tpu.memory_space<semaphore_mem>>) src(%dma_wait3A_292 : memref<65536x16xf32, #tpu.memory_space<hbm>>) dst(%dma_wait3A_286 : memref<128x16xf32, #tpu.memory_space<vmem>>)
    %dma_wait3A_293 = arith.constant 13 : i32
    %dma_wait3A_294 = arith.constant 1664 : i32
    %dma_wait3A_295 = arith.constant 0 : i32
    %dma_wait3A_296 = tpu.memref_slice %arg7[%dma_wait3A_294, %dma_wait3A_295] : memref<2048x16xf32, #tpu.memory_space<vmem>> -> memref<128x16xf32, #tpu.memory_space<vmem>>
    %dma_wait3A_297 = arith.constant 0 : i32
    %dma_wait3A_298 = tpu.memref_slice %arg6[%dma_wait3A_293, %dma_wait3A_297] : memref<16x128xi32, #tpu.memory_space<vmem>> -> memref<1x128xi32, #tpu.memory_space<vmem>>
    %dma_wait3A_299 = tpu.memref_squeeze %dma_wait3A_298 : memref<1x128xi32, #tpu.memory_space<vmem>> -> memref<128xi32, #tpu.memory_space<vmem>>
    %dma_wait3A_300 = arith.constant 0 : i32
    %dma_wait3A_301 = arith.constant 0 : i32
    %dma_wait3A_302 = tpu.memref_slice %arg2[%dma_wait3A_300, %dma_wait3A_301] : memref<65536x16xf32, #tpu.memory_space<hbm>> -> memref<65536x16xf32, #tpu.memory_space<hbm>>
    tpu.wait_indirect_dma semaphore(%arg9 : memref<!tpu.dma_semaphore, #tpu.memory_space<semaphore_mem>>) src(%dma_wait3A_302 : memref<65536x16xf32, #tpu.memory_space<hbm>>) dst(%dma_wait3A_296 : memref<128x16xf32, #tpu.memory_space<vmem>>)
    %dma_wait3A_303 = arith.constant 14 : i32
    %dma_wait3A_304 = arith.constant 1792 : i32
    %dma_wait3A_305 = arith.constant 0 : i32
    %dma_wait3A_306 = tpu.memref_slice %arg7[%dma_wait3A_304, %dma_wait3A_305] : memref<2048x16xf32, #tpu.memory_space<vmem>> -> memref<128x16xf32, #tpu.memory_space<vmem>>
    %dma_wait3A_307 = arith.constant 0 : i32
    %dma_wait3A_308 = tpu.memref_slice %arg6[%dma_wait3A_303, %dma_wait3A_307] : memref<16x128xi32, #tpu.memory_space<vmem>> -> memref<1x128xi32, #tpu.memory_space<vmem>>
    %dma_wait3A_309 = tpu.memref_squeeze %dma_wait3A_308 : memref<1x128xi32, #tpu.memory_space<vmem>> -> memref<128xi32, #tpu.memory_space<vmem>>
    %dma_wait3A_310 = arith.constant 0 : i32
    %dma_wait3A_311 = arith.constant 0 : i32
    %dma_wait3A_312 = tpu.memref_slice %arg2[%dma_wait3A_310, %dma_wait3A_311] : memref<65536x16xf32, #tpu.memory_space<hbm>> -> memref<65536x16xf32, #tpu.memory_space<hbm>>
    tpu.wait_indirect_dma semaphore(%arg9 : memref<!tpu.dma_semaphore, #tpu.memory_space<semaphore_mem>>) src(%dma_wait3A_312 : memref<65536x16xf32, #tpu.memory_space<hbm>>) dst(%dma_wait3A_306 : memref<128x16xf32, #tpu.memory_space<vmem>>)
    %dma_wait3A_313 = arith.constant 15 : i32
    %dma_wait3A_314 = arith.constant 1920 : i32
    %dma_wait3A_315 = arith.constant 0 : i32
    %dma_wait3A_316 = tpu.memref_slice %arg7[%dma_wait3A_314, %dma_wait3A_315] : memref<2048x16xf32, #tpu.memory_space<vmem>> -> memref<128x16xf32, #tpu.memory_space<vmem>>
    %dma_wait3A_317 = arith.constant 0 : i32
    %dma_wait3A_318 = tpu.memref_slice %arg6[%dma_wait3A_313, %dma_wait3A_317] : memref<16x128xi32, #tpu.memory_space<vmem>> -> memref<1x128xi32, #tpu.memory_space<vmem>>
    %dma_wait3A_319 = tpu.memref_squeeze %dma_wait3A_318 : memref<1x128xi32, #tpu.memory_space<vmem>> -> memref<128xi32, #tpu.memory_space<vmem>>
    %dma_wait3A_320 = arith.constant 0 : i32
    %dma_wait3A_321 = arith.constant 0 : i32
    %dma_wait3A_322 = tpu.memref_slice %arg2[%dma_wait3A_320, %dma_wait3A_321] : memref<65536x16xf32, #tpu.memory_space<hbm>> -> memref<65536x16xf32, #tpu.memory_space<hbm>>
    tpu.wait_indirect_dma semaphore(%arg9 : memref<!tpu.dma_semaphore, #tpu.memory_space<semaphore_mem>>) src(%dma_wait3A_322 : memref<65536x16xf32, #tpu.memory_space<hbm>>) dst(%dma_wait3A_316 : memref<128x16xf32, #tpu.memory_space<vmem>>)
    %mul3A_323 = arith.constant 64 : i32
    %mul3A_324 = arith.muli %add3A, %mul3A_323 : i32
    "tpu.region"() ({
      %run_scoped3A = tpu.sem_alloc : memref<!tpu.dma_semaphore, #tpu.memory_space<semaphore_mem>>
      %dma_start3A_331 = arith.constant 0 : i32
      %dma_start3A_332 = tpu.memref_slice %arg4[%mul3A_324, %dma_start3A_331] : memref<2048x16xf32, #tpu.memory_space<hbm>> -> memref<64x16xf32, #tpu.memory_space<hbm>>
      %dma_start3A_333 = arith.constant 0 : i32
      %dma_start3A_334 = tpu.memref_slice %arg4[%mul3A_324, %dma_start3A_333] : memref<2048x16xf32, #tpu.memory_space<hbm>> -> memref<64x16xf32, #tpu.memory_space<hbm>>
      tpu.enqueue_dma source(%dma_start3A_334 : memref<64x16xf32, #tpu.memory_space<hbm>>) target(%arg8 : memref<64x16xf32, #tpu.memory_space<vmem>>) target_semaphore(%run_scoped3A : memref<!tpu.dma_semaphore, #tpu.memory_space<semaphore_mem>>)
      %dma_wait3A_335 = arith.constant 0 : i32
      %dma_wait3A_336 = tpu.memref_slice %arg4[%mul3A_324, %dma_wait3A_335] : memref<2048x16xf32, #tpu.memory_space<hbm>> -> memref<64x16xf32, #tpu.memory_space<hbm>>
      %dma_wait3A_337 = arith.constant 0 : i32
      %dma_wait3A_338 = tpu.memref_slice %arg4[%mul3A_324, %dma_wait3A_337] : memref<2048x16xf32, #tpu.memory_space<hbm>> -> memref<64x16xf32, #tpu.memory_space<hbm>>
      tpu.wait_dma2 semaphore(%run_scoped3A : memref<!tpu.dma_semaphore, #tpu.memory_space<semaphore_mem>>) src(%dma_wait3A_338 : memref<64x16xf32, #tpu.memory_space<hbm>>) dst(%arg8 : memref<64x16xf32, #tpu.memory_space<vmem>>)
      tpu.yield
    }) : () -> ()
    %scan3A = arith.constant 0 : i32
    %scan3A_325 = arith.constant 0 : i32
    %scan3A_326 = arith.constant 64 : i32
    %scan3A_327 = arith.addi %scan3A_325, %scan3A_326 : i32
    %scan3A_328 = arith.constant 1 : i32
    %scan3A_329 = scf.for %scan3A_331 = %scan3A_325 to %scan3A_327 step %scan3A_328 iter_args(%scan3A_332 = %scan3A) -> (i32)  : i32 {
      %get3A = arith.index_cast %scan3A_331 : i32 to index
      %get3A_333 = arith.constant 0 : index
      %get3A_334 = tpu.vector_load %arg8[%get3A, %get3A_333] {strides = array<i32>} : memref<64x16xf32, #tpu.memory_space<vmem>>, vector<1x16xf32>,
      %get3A_335 = vector.shape_cast %get3A_334 : vector<1x16xf32> to vector<16xf32>
      %scan3A_336 = arith.constant 0 : i32
      %scan3A_337 = arith.constant 0 : i32
      %scan3A_338 = arith.constant 32 : i32
      %scan3A_339 = arith.addi %scan3A_337, %scan3A_338 : i32
      %scan3A_340 = arith.constant 1 : i32
      %scan3A_341 = scf.for %scan3A_344 = %scan3A_337 to %scan3A_339 step %scan3A_340 iter_args(%scan3A_345 = %scan3A_336) -> (i32)  : i32 {
        %mul3A_346 = arith.constant 32 : i32
        %mul3A_347 = arith.muli %scan3A_331, %mul3A_346 : i32
        %add3A_348 = arith.addi %mul3A_347, %scan3A_344 : i32
        %get3A_349 = arith.index_cast %add3A_348 : i32 to index
        %get3A_350 = arith.constant 0 : index
        %get3A_351 = tpu.vector_load %arg7[%get3A_349, %get3A_350] {strides = array<i32>} : memref<2048x16xf32, #tpu.memory_space<vmem>>, vector<1x16xf32>,
        %get3A_352 = vector.shape_cast %get3A_351 : vector<1x16xf32> to vector<16xf32>
        %sub3A = arith.subf %get3A_352, %get3A_335 : vector<16xf32>
        %swap3A = arith.index_cast %add3A_348 : i32 to index
        %swap3A_353 = arith.constant 0 : index
        %swap3A_354 = tpu.vector_load %arg7[%swap3A, %swap3A_353] {strides = array<i32>} : memref<2048x16xf32, #tpu.memory_space<vmem>>, vector<1x16xf32>,
        %swap3A_355 = vector.shape_cast %swap3A_354 : vector<1x16xf32> to vector<16xf32>
        %swap3A_356 = vector.shape_cast %sub3A : vector<16xf32> to vector<1x16xf32>
        tpu.vector_store %arg7[%swap3A, %swap3A_353], %swap3A_356 {strides = array<i32>} : memref<2048x16xf32, #tpu.memory_space<vmem>>, vector<1x16xf32>,
        %scan3A_357 = arith.constant 0 : i32
        scf.yield %scan3A_357 : i32
      }
      %scan3A_342 = arith.constant 32 : i32
      %scan3A_343 = arith.constant 0 : i32
      scf.yield %scan3A_343 : i32
    }
    %scan3A_330 = arith.constant 64 : i32
    "tpu.region"() ({
      %run_scoped3A = tpu.sem_alloc : memref<!tpu.dma_semaphore, #tpu.memory_space<semaphore_mem>>
      %dma_start3A_331 = arith.constant 0 : i32
      %dma_start3A_332 = tpu.memref_slice %arg5[%mul3A_2, %dma_start3A_331] : memref<65536x16xf32, #tpu.memory_space<hbm>> -> memref<2048x16xf32, #tpu.memory_space<hbm>>
      %dma_start3A_333 = arith.constant 0 : i32
      %dma_start3A_334 = tpu.memref_slice %arg5[%mul3A_2, %dma_start3A_333] : memref<65536x16xf32, #tpu.memory_space<hbm>> -> memref<2048x16xf32, #tpu.memory_space<hbm>>
      tpu.enqueue_dma source(%arg7 : memref<2048x16xf32, #tpu.memory_space<vmem>>) target(%dma_start3A_334 : memref<2048x16xf32, #tpu.memory_space<hbm>>) target_semaphore(%run_scoped3A : memref<!tpu.dma_semaphore, #tpu.memory_space<semaphore_mem>>)
      %dma_wait3A_335 = arith.constant 0 : i32
      %dma_wait3A_336 = tpu.memref_slice %arg5[%mul3A_2, %dma_wait3A_335] : memref<65536x16xf32, #tpu.memory_space<hbm>> -> memref<2048x16xf32, #tpu.memory_space<hbm>>
      %dma_wait3A_337 = arith.constant 0 : i32
      %dma_wait3A_338 = tpu.memref_slice %arg5[%mul3A_2, %dma_wait3A_337] : memref<65536x16xf32, #tpu.memory_space<hbm>> -> memref<2048x16xf32, #tpu.memory_space<hbm>>
      tpu.wait_dma2 semaphore(%run_scoped3A : memref<!tpu.dma_semaphore, #tpu.memory_space<semaphore_mem>>) src(%arg7 : memref<2048x16xf32, #tpu.memory_space<vmem>>) dst(%dma_wait3A_338 : memref<2048x16xf32, #tpu.memory_space<hbm>>)
      tpu.yield
    }) : () -> ()
    return
  }
}

module attributes {stable_mosaic.version = 14 : i64} {
  func.func @_fps_kernel(%arg0: memref<8x8192xf32, #tpu.memory_space<vmem>>, %arg1: memref<8x8192xf32, #tpu.memory_space<vmem>>, %arg2: memref<8x8192xf32, #tpu.memory_space<vmem>>, %arg3: memref<8x256xf32, #tpu.memory_space<vmem>>, %arg4: memref<8x256xf32, #tpu.memory_space<vmem>>, %arg5: memref<8x256xf32, #tpu.memory_space<vmem>>) attributes {dimension_semantics = [], scalar_prefetch = 0 : i64, scratch_operands = 0 : i64, tpu.core_type = #tpu.core_type<tc>} {
    %get3A = arith.constant 0 : index
    %get3A_0 = arith.constant 0 : index
    %get3A_1 = vector.load %arg0[%get3A, %get3A_0] : memref<8x8192xf32, #tpu.memory_space<vmem>>, vector<8x8192xf32>
    %get3A_2 = arith.constant 0 : index
    %get3A_3 = arith.constant 0 : index
    %get3A_4 = vector.load %arg1[%get3A_2, %get3A_3] : memref<8x8192xf32, #tpu.memory_space<vmem>>, vector<8x8192xf32>
    %get3A_5 = arith.constant 0 : index
    %get3A_6 = arith.constant 0 : index
    %get3A_7 = vector.load %arg2[%get3A_5, %get3A_6] : memref<8x8192xf32, #tpu.memory_space<vmem>>, vector<8x8192xf32>
    %iota3A = tpu.iota {dimensions = array<i32: 1>} : vector<8x8192xi32>
    %iota3A_8 = tpu.iota {dimensions = array<i32: 1>} : vector<8x256xi32>
    %broadcast_in_dim3A = arith.constant 0x7F800000 : f32
    %broadcast_in_dim3A_9 = vector.broadcast %broadcast_in_dim3A : f32 to vector<8x8192xf32>
    %broadcast_in_dim3A_10 = arith.constant 0 : i32
    %broadcast_in_dim3A_11 = vector.broadcast %broadcast_in_dim3A_10 : i32 to vector<8x1xi32>
    %broadcast_in_dim3A_12 = arith.constant 0.000000e+00 : f32
    %broadcast_in_dim3A_13 = vector.broadcast %broadcast_in_dim3A_12 : f32 to vector<8x256xf32>
    %scan3A = arith.constant 0 : i32
    %scan3A_14 = arith.constant 256 : i32
    %scan3A_15 = arith.addi %scan3A, %scan3A_14 : i32
    %scan3A_16 = arith.constant 1 : i32
    %scan3A_17:5 = scf.for %scan3A_27 = %scan3A to %scan3A_15 step %scan3A_16 iter_args(%scan3A_28 = %broadcast_in_dim3A_9, %scan3A_29 = %broadcast_in_dim3A_11, %scan3A_30 = %broadcast_in_dim3A_13, %scan3A_31 = %broadcast_in_dim3A_13, %scan3A_32 = %broadcast_in_dim3A_13) -> (vector<8x8192xf32>, vector<8x1xi32>, vector<8x256xf32>, vector<8x256xf32>, vector<8x256xf32>)  : i32 {
      %eq3A = vector.broadcast %scan3A_29 : vector<8x1xi32> to vector<8x8192xi32>
      %eq3A_33 = arith.cmpi eq, %iota3A, %eq3A : vector<8x8192xi32>
      %jit3A = arith.constant 0.000000e+00 : f32
      %broadcast_in_dim3A_34 = vector.broadcast %jit3A : f32 to vector<8x8192xf32>
      %select_n3A = arith.select %eq3A_33, %get3A_1, %broadcast_in_dim3A_34 : vector<8x8192xi1>, vector<8x8192xf32>
      %reduce_sum3A = arith.constant dense<0.000000e+00> : vector<8xf32>
      %reduce_sum3A_35 = vector.multi_reduction <add>, %select_n3A, %reduce_sum3A [1] : vector<8x8192xf32> to vector<8xf32>
      %broadcast_in_dim3A_36 = vector.shape_cast %reduce_sum3A_35 : vector<8xf32> to vector<8x1xf32>
      %jit3A_37 = arith.constant 0.000000e+00 : f32
      %broadcast_in_dim3A_38 = vector.broadcast %jit3A_37 : f32 to vector<8x8192xf32>
      %select_n3A_39 = arith.select %eq3A_33, %get3A_4, %broadcast_in_dim3A_38 : vector<8x8192xi1>, vector<8x8192xf32>
      %reduce_sum3A_40 = arith.constant dense<0.000000e+00> : vector<8xf32>
      %reduce_sum3A_41 = vector.multi_reduction <add>, %select_n3A_39, %reduce_sum3A_40 [1] : vector<8x8192xf32> to vector<8xf32>
      %broadcast_in_dim3A_42 = vector.shape_cast %reduce_sum3A_41 : vector<8xf32> to vector<8x1xf32>
      %jit3A_43 = arith.constant 0.000000e+00 : f32
      %broadcast_in_dim3A_44 = vector.broadcast %jit3A_43 : f32 to vector<8x8192xf32>
      %select_n3A_45 = arith.select %eq3A_33, %get3A_7, %broadcast_in_dim3A_44 : vector<8x8192xi1>, vector<8x8192xf32>
      %reduce_sum3A_46 = arith.constant dense<0.000000e+00> : vector<8xf32>
      %reduce_sum3A_47 = vector.multi_reduction <add>, %select_n3A_45, %reduce_sum3A_46 [1] : vector<8x8192xf32> to vector<8xf32>
      %broadcast_in_dim3A_48 = vector.shape_cast %reduce_sum3A_47 : vector<8xf32> to vector<8x1xf32>
      %eq3A_49 = vector.broadcast %scan3A_27 : i32 to vector<8x256xi32>
      %eq3A_50 = arith.cmpi eq, %iota3A_8, %eq3A_49 : vector<8x256xi32>
      %broadcast_in_dim3A_51 = vector.shape_cast %broadcast_in_dim3A_36 : vector<8x1xf32> to vector<8x1xf32>
      %broadcast_in_dim3A_52 = vector.broadcast %broadcast_in_dim3A_51 : vector<8x1xf32> to vector<8x256xf32>
      %select_n3A_53 = arith.select %eq3A_50, %broadcast_in_dim3A_52, %scan3A_30 : vector<8x256xi1>, vector<8x256xf32>
      %broadcast_in_dim3A_54 = vector.shape_cast %broadcast_in_dim3A_42 : vector<8x1xf32> to vector<8x1xf32>
      %broadcast_in_dim3A_55 = vector.broadcast %broadcast_in_dim3A_54 : vector<8x1xf32> to vector<8x256xf32>
      %select_n3A_56 = arith.select %eq3A_50, %broadcast_in_dim3A_55, %scan3A_31 : vector<8x256xi1>, vector<8x256xf32>
      %broadcast_in_dim3A_57 = vector.shape_cast %broadcast_in_dim3A_48 : vector<8x1xf32> to vector<8x1xf32>
      %broadcast_in_dim3A_58 = vector.broadcast %broadcast_in_dim3A_57 : vector<8x1xf32> to vector<8x256xf32>
      %select_n3A_59 = arith.select %eq3A_50, %broadcast_in_dim3A_58, %scan3A_32 : vector<8x256xi1>, vector<8x256xf32>
      %sub3A = vector.broadcast %broadcast_in_dim3A_36 : vector<8x1xf32> to vector<8x8192xf32>
      %sub3A_60 = arith.subf %get3A_1, %sub3A : vector<8x8192xf32>
      %sub3A_61 = vector.broadcast %broadcast_in_dim3A_42 : vector<8x1xf32> to vector<8x8192xf32>
      %sub3A_62 = arith.subf %get3A_4, %sub3A_61 : vector<8x8192xf32>
      %sub3A_63 = vector.broadcast %broadcast_in_dim3A_48 : vector<8x1xf32> to vector<8x8192xf32>
      %sub3A_64 = arith.subf %get3A_7, %sub3A_63 : vector<8x8192xf32>
      %mul3A = arith.mulf %sub3A_60, %sub3A_60 : vector<8x8192xf32>
      %mul3A_65 = arith.mulf %sub3A_62, %sub3A_62 : vector<8x8192xf32>
      %add3A = arith.addf %mul3A, %mul3A_65 : vector<8x8192xf32>
      %mul3A_66 = arith.mulf %sub3A_64, %sub3A_64 : vector<8x8192xf32>
      %add3A_67 = arith.addf %add3A, %mul3A_66 : vector<8x8192xf32>
      %min3A = arith.minimumf %scan3A_28, %add3A_67 : vector<8x8192xf32>
      %reduce_max3A = arith.constant dense<0xFF800000> : vector<8xf32>
      %reduce_max3A_68 = vector.multi_reduction <maximumf>, %min3A, %reduce_max3A [1] : vector<8x8192xf32> to vector<8xf32>
      %broadcast_in_dim3A_69 = vector.shape_cast %reduce_max3A_68 : vector<8xf32> to vector<8x1xf32>
      %eq3A_70 = vector.broadcast %broadcast_in_dim3A_69 : vector<8x1xf32> to vector<8x8192xf32>
      %eq3A_71 = arith.cmpf oeq, %min3A, %eq3A_70 : vector<8x8192xf32>
      %jit3A_72 = arith.constant 8192 : i32
      %broadcast_in_dim3A_73 = vector.broadcast %jit3A_72 : i32 to vector<8x8192xi32>
      %select_n3A_74 = arith.select %eq3A_71, %iota3A, %broadcast_in_dim3A_73 : vector<8x8192xi1>, vector<8x8192xi32>
      %reduce_min3A = arith.constant dense<2147483647> : vector<8xi32>
      %reduce_min3A_75 = vector.multi_reduction <minsi>, %select_n3A_74, %reduce_min3A [1] : vector<8x8192xi32> to vector<8xi32>
      %broadcast_in_dim3A_76 = vector.shape_cast %reduce_min3A_75 : vector<8xi32> to vector<8x1xi32>
      scf.yield %min3A, %broadcast_in_dim3A_76, %select_n3A_53, %select_n3A_56, %select_n3A_59 : vector<8x8192xf32>, vector<8x1xi32>, vector<8x256xf32>, vector<8x256xf32>, vector<8x256xf32>
    }
    %scan3A_18 = arith.constant 256 : i32
    %swap3A = arith.constant 0 : index
    %swap3A_19 = arith.constant 0 : index
    %swap3A_20 = vector.load %arg3[%swap3A, %swap3A_19] : memref<8x256xf32, #tpu.memory_space<vmem>>, vector<8x256xf32>
    tpu.vector_store %arg3[%swap3A, %swap3A_19], %scan3A_17#2 {strides = array<i32>} : memref<8x256xf32, #tpu.memory_space<vmem>>, vector<8x256xf32>,
    %swap3A_21 = arith.constant 0 : index
    %swap3A_22 = arith.constant 0 : index
    %swap3A_23 = vector.load %arg4[%swap3A_21, %swap3A_22] : memref<8x256xf32, #tpu.memory_space<vmem>>, vector<8x256xf32>
    tpu.vector_store %arg4[%swap3A_21, %swap3A_22], %scan3A_17#3 {strides = array<i32>} : memref<8x256xf32, #tpu.memory_space<vmem>>, vector<8x256xf32>,
    %swap3A_24 = arith.constant 0 : index
    %swap3A_25 = arith.constant 0 : index
    %swap3A_26 = vector.load %arg5[%swap3A_24, %swap3A_25] : memref<8x256xf32, #tpu.memory_space<vmem>>, vector<8x256xf32>
    tpu.vector_store %arg5[%swap3A_24, %swap3A_25], %scan3A_17#4 {strides = array<i32>} : memref<8x256xf32, #tpu.memory_space<vmem>>, vector<8x256xf32>,
    return
  }
}

module attributes {stable_mosaic.version = 14 : i64} {
  func.func @_group_kernel(%arg0: memref<8x8192xf32, #tpu.memory_space<vmem>>, %arg1: memref<8x8192xf32, #tpu.memory_space<vmem>>, %arg2: memref<8x8192xf32, #tpu.memory_space<vmem>>, %arg3: memref<8x256xf32, #tpu.memory_space<vmem>>, %arg4: memref<8x256xf32, #tpu.memory_space<vmem>>, %arg5: memref<8x256xf32, #tpu.memory_space<vmem>>, %arg6: memref<8x256x256xf32, #tpu.memory_space<vmem>>, %arg7: memref<8x256x32xi32, #tpu.memory_space<vmem>>, %arg8: memref<8x256xf32, #tpu.memory_space<vmem>>, %arg9: memref<8x256xf32, #tpu.memory_space<vmem>>, %arg10: memref<8x256xf32, #tpu.memory_space<vmem>>) attributes {dimension_semantics = [], scalar_prefetch = 0 : i64, scratch_operands = 0 : i64, tpu.core_type = #tpu.core_type<tc>} {
    %get3A = arith.constant 0 : index
    %get3A_0 = arith.constant 0 : index
    %get3A_1 = vector.load %arg3[%get3A, %get3A_0] : memref<8x256xf32, #tpu.memory_space<vmem>>, vector<8x256xf32>
    %get3A_2 = arith.constant 0 : index
    %get3A_3 = arith.constant 0 : index
    %get3A_4 = vector.load %arg4[%get3A_2, %get3A_3] : memref<8x256xf32, #tpu.memory_space<vmem>>, vector<8x256xf32>
    %get3A_5 = arith.constant 0 : index
    %get3A_6 = arith.constant 0 : index
    %get3A_7 = vector.load %arg5[%get3A_5, %get3A_6] : memref<8x256xf32, #tpu.memory_space<vmem>>, vector<8x256xf32>
    %iota3A = tpu.iota {dimensions = array<i32: 1>} : vector<8x256xi32>
    %iota3A_8 = tpu.iota {dimensions = array<i32: 1>} : vector<8x256x256xi32>
    %iota3A_9 = tpu.iota {dimensions = array<i32: 2>} : vector<8x256x256xi32>
    %eq3A = arith.cmpi eq, %iota3A_8, %iota3A_9 : vector<8x256x256xi32>
    %get3A_10 = arith.constant 0 : index
    %get3A_11 = arith.constant 0 : index
    %get3A_12 = arith.constant 0 : index
    %get3A_13 = vector.load %arg6[%get3A_10, %get3A_11, %get3A_12] : memref<8x256x256xf32, #tpu.memory_space<vmem>>, vector<8x256x256xf32>
    %jit3A = arith.constant 0x7F800000 : f32
    %broadcast_in_dim3A = vector.broadcast %jit3A : f32 to vector<8x256x256xf32>
    %select_n3A = arith.select %eq3A, %broadcast_in_dim3A, %get3A_13 : vector<8x256x256xi1>, vector<8x256x256xf32>
    %eq3A_14 = arith.constant 0 : i32
    %eq3A_15 = vector.broadcast %eq3A_14 : i32 to vector<8x256xi32>
    %eq3A_16 = arith.cmpi eq, %iota3A, %eq3A_15 : vector<8x256xi32>
    %convert_element_type3A = arith.extui %eq3A_16 : vector<8x256xi1> to vector<8x256xi32>
    %broadcast_in_dim3A_17 = arith.constant 0 : i32
    %broadcast_in_dim3A_18 = vector.broadcast %broadcast_in_dim3A_17 : i32 to vector<8x1xi32>
    %broadcast_in_dim3A_19 = arith.constant 0 : i32
    %broadcast_in_dim3A_20 = vector.broadcast %broadcast_in_dim3A_19 : i32 to vector<8x256xi32>
    %scan3A = arith.constant 1 : i32
    %scan3A_21 = arith.constant 255 : i32
    %scan3A_22 = arith.addi %scan3A, %scan3A_21 : i32
    %scan3A_23 = arith.constant 1 : i32
    %scan3A_24:3 = scf.for %scan3A_35 = %scan3A to %scan3A_22 step %scan3A_23 iter_args(%scan3A_36 = %convert_element_type3A, %scan3A_37 = %broadcast_in_dim3A_18, %scan3A_38 = %broadcast_in_dim3A_20) -> (vector<8x256xi32>, vector<8x1xi32>, vector<8x256xi32>)  : i32 {
      %broadcast_in_dim3A_39 = vector.shape_cast %scan3A_37 : vector<8x1xi32> to vector<8x1x1xi32>
      %eq3A_40 = vector.broadcast %broadcast_in_dim3A_39 : vector<8x1x1xi32> to vector<8x256x256xi32>
      %eq3A_41 = arith.cmpi eq, %iota3A_8, %eq3A_40 : vector<8x256x256xi32>
      %jit3A_42 = arith.constant 0.000000e+00 : f32
      %broadcast_in_dim3A_43 = vector.broadcast %jit3A_42 : f32 to vector<8x256x256xf32>
      %select_n3A_44 = arith.select %eq3A_41, %select_n3A, %broadcast_in_dim3A_43 : vector<8x256x256xi1>, vector<8x256x256xf32>
      %reduce_sum3A = arith.constant dense<0.000000e+00> : vector<8x256xf32>
      %reduce_sum3A_45 = vector.multi_reduction <add>, %select_n3A_44, %reduce_sum3A [1] : vector<8x256x256xf32> to vector<8x256xf32>
      %ne3A = arith.constant 0 : i32
      %ne3A_46 = vector.broadcast %ne3A : i32 to vector<8x256xi32>
      %ne3A_47 = arith.cmpi ne, %scan3A_36, %ne3A_46 : vector<8x256xi32>
      %jit3A_48 = arith.constant 0x7F800000 : f32
      %broadcast_in_dim3A_49 = vector.broadcast %jit3A_48 : f32 to vector<8x256xf32>
      %select_n3A_50 = arith.select %ne3A_47, %broadcast_in_dim3A_49, %reduce_sum3A_45 : vector<8x256xi1>, vector<8x256xf32>
      %reduce_min3A = arith.constant dense<0x7F800000> : vector<8xf32>
      %reduce_min3A_51 = vector.multi_reduction <minimumf>, %select_n3A_50, %reduce_min3A [1] : vector<8x256xf32> to vector<8xf32>
      %broadcast_in_dim3A_52 = vector.shape_cast %reduce_min3A_51 : vector<8xf32> to vector<8x1xf32>
      %eq3A_53 = vector.broadcast %broadcast_in_dim3A_52 : vector<8x1xf32> to vector<8x256xf32>
      %eq3A_54 = arith.cmpf oeq, %select_n3A_50, %eq3A_53 : vector<8x256xf32>
      %jit3A_55 = arith.constant 256 : i32
      %broadcast_in_dim3A_56 = vector.broadcast %jit3A_55 : i32 to vector<8x256xi32>
      %select_n3A_57 = arith.select %eq3A_54, %iota3A, %broadcast_in_dim3A_56 : vector<8x256xi1>, vector<8x256xi32>
      %reduce_min3A_58 = arith.constant dense<2147483647> : vector<8xi32>
      %reduce_min3A_59 = vector.multi_reduction <minsi>, %select_n3A_57, %reduce_min3A_58 [1] : vector<8x256xi32> to vector<8xi32>
      %broadcast_in_dim3A_60 = vector.shape_cast %reduce_min3A_59 : vector<8xi32> to vector<8x1xi32>
      %eq3A_61 = vector.broadcast %scan3A_35 : i32 to vector<8x256xi32>
      %eq3A_62 = arith.cmpi eq, %iota3A, %eq3A_61 : vector<8x256xi32>
      %broadcast_in_dim3A_63 = vector.shape_cast %broadcast_in_dim3A_60 : vector<8x1xi32> to vector<8x1xi32>
      %broadcast_in_dim3A_64 = vector.broadcast %broadcast_in_dim3A_63 : vector<8x1xi32> to vector<8x256xi32>
      %select_n3A_65 = arith.select %eq3A_62, %broadcast_in_dim3A_64, %scan3A_38 : vector<8x256xi1>, vector<8x256xi32>
      %eq3A_66 = vector.broadcast %broadcast_in_dim3A_60 : vector<8x1xi32> to vector<8x256xi32>
      %eq3A_67 = arith.cmpi eq, %iota3A, %eq3A_66 : vector<8x256xi32>
      %convert_element_type3A_68 = arith.extui %eq3A_67 : vector<8x256xi1> to vector<8x256xi32>
      %max3A = arith.maxsi %scan3A_36, %convert_element_type3A_68 : vector<8x256xi32>
      scf.yield %max3A, %broadcast_in_dim3A_60, %select_n3A_65 : vector<8x256xi32>, vector<8x1xi32>, vector<8x256xi32>
    }
    %scan3A_25 = arith.constant 255 : i32
    %iota3A_26 = tpu.iota {dimensions = array<i32: 1>} : vector<256x8192xi32>
    %iota3A_27 = tpu.iota {dimensions = array<i32: 1>} : vector<256x32xi32>
    %iota3A_28 = tpu.iota {dimensions = array<i32: 1>} : vector<256x256xi32>
    %iota3A_29 = tpu.iota {dimensions = array<i32: 0>} : vector<8x1xi32>
    %scan3A_30 = arith.constant 0 : i32
    %scan3A_31 = arith.constant 4 : i32
    %scan3A_32 = arith.addi %scan3A_30, %scan3A_31 : i32
    %scan3A_33 = arith.constant 1 : i32
    scf.for %scan3A_35 = %scan3A_30 to %scan3A_32 step %scan3A_33  : i32 {
      %mul3A = arith.constant 2 : i32
      %mul3A_36 = arith.muli %mul3A, %scan3A_35 : i32
      %mul3A_37 = arith.constant 2 : i32
      %mul3A_38 = arith.muli %mul3A_37, %scan3A_35 : i32
      %add3A = arith.constant 1 : i32
      %add3A_39 = arith.addi %mul3A_38, %add3A : i32
      %eq3A_40 = vector.broadcast %mul3A_36 : i32 to vector<8x1xi32>
      %eq3A_41 = arith.cmpi eq, %iota3A_29, %eq3A_40 : vector<8x1xi32>
      %jit3A_42 = arith.constant 0.000000e+00 : f32
      %broadcast_in_dim3A_43 = vector.shape_cast %eq3A_41 : vector<8x1xi1> to vector<8x1xi1>
      %broadcast_in_dim3A_44 = vector.broadcast %broadcast_in_dim3A_43 : vector<8x1xi1> to vector<8x256xi1>
      %broadcast_in_dim3A_45 = vector.broadcast %jit3A_42 : f32 to vector<8x256xf32>
      %select_n3A_46 = arith.select %broadcast_in_dim3A_44, %get3A_1, %broadcast_in_dim3A_45 : vector<8x256xi1>, vector<8x256xf32>
      %reduce_sum3A = arith.constant dense<0.000000e+00> : vector<256xf32>
      %reduce_sum3A_47 = vector.multi_reduction <add>, %select_n3A_46, %reduce_sum3A [0] : vector<8x256xf32> to vector<256xf32>
      %broadcast_in_dim3A_48 = vector.shape_cast %reduce_sum3A_47 : vector<256xf32> to vector<1x256xf32>
      %transpose3A = tpu.transpose %broadcast_in_dim3A_48, [1, 0] : vector<1x256xf32> -> vector<256x1xf32>
      %jit3A_49 = arith.constant 0.000000e+00 : f32
      %broadcast_in_dim3A_50 = vector.shape_cast %eq3A_41 : vector<8x1xi1> to vector<8x1xi1>
      %broadcast_in_dim3A_51 = vector.broadcast %broadcast_in_dim3A_50 : vector<8x1xi1> to vector<8x256xi1>
      %broadcast_in_dim3A_52 = vector.broadcast %jit3A_49 : f32 to vector<8x256xf32>
      %select_n3A_53 = arith.select %broadcast_in_dim3A_51, %get3A_4, %broadcast_in_dim3A_52 : vector<8x256xi1>, vector<8x256xf32>
      %reduce_sum3A_54 = arith.constant dense<0.000000e+00> : vector<256xf32>
      %reduce_sum3A_55 = vector.multi_reduction <add>, %select_n3A_53, %reduce_sum3A_54 [0] : vector<8x256xf32> to vector<256xf32>
      %broadcast_in_dim3A_56 = vector.shape_cast %reduce_sum3A_55 : vector<256xf32> to vector<1x256xf32>
      %transpose3A_57 = tpu.transpose %broadcast_in_dim3A_56, [1, 0] : vector<1x256xf32> -> vector<256x1xf32>
      %jit3A_58 = arith.constant 0.000000e+00 : f32
      %broadcast_in_dim3A_59 = vector.shape_cast %eq3A_41 : vector<8x1xi1> to vector<8x1xi1>
      %broadcast_in_dim3A_60 = vector.broadcast %broadcast_in_dim3A_59 : vector<8x1xi1> to vector<8x256xi1>
      %broadcast_in_dim3A_61 = vector.broadcast %jit3A_58 : f32 to vector<8x256xf32>
      %select_n3A_62 = arith.select %broadcast_in_dim3A_60, %get3A_7, %broadcast_in_dim3A_61 : vector<8x256xi1>, vector<8x256xf32>
      %reduce_sum3A_63 = arith.constant dense<0.000000e+00> : vector<256xf32>
      %reduce_sum3A_64 = vector.multi_reduction <add>, %select_n3A_62, %reduce_sum3A_63 [0] : vector<8x256xf32> to vector<256xf32>
      %broadcast_in_dim3A_65 = vector.shape_cast %reduce_sum3A_64 : vector<256xf32> to vector<1x256xf32>
      %transpose3A_66 = tpu.transpose %broadcast_in_dim3A_65, [1, 0] : vector<1x256xf32> -> vector<256x1xf32>
      %jit3A_67 = arith.constant 0 : i32
      %broadcast_in_dim3A_68 = vector.shape_cast %eq3A_41 : vector<8x1xi1> to vector<8x1xi1>
      %broadcast_in_dim3A_69 = vector.broadcast %broadcast_in_dim3A_68 : vector<8x1xi1> to vector<8x256xi1>
      %broadcast_in_dim3A_70 = vector.broadcast %jit3A_67 : i32 to vector<8x256xi32>
      %select_n3A_71 = arith.select %broadcast_in_dim3A_69, %scan3A_24#2, %broadcast_in_dim3A_70 : vector<8x256xi1>, vector<8x256xi32>
      %reduce_sum3A_72 = arith.constant dense<0> : vector<256xi32>
      %reduce_sum3A_73 = vector.multi_reduction <add>, %select_n3A_71, %reduce_sum3A_72 [0] : vector<8x256xi32> to vector<256xi32>
      %broadcast_in_dim3A_74 = vector.shape_cast %reduce_sum3A_73 : vector<256xi32> to vector<1x256xi32>
      %transpose3A_75 = tpu.transpose %broadcast_in_dim3A_74, [1, 0] : vector<1x256xi32> -> vector<256x1xi32>
      %get3A_76 = arith.index_cast %mul3A_36 : i32 to index
      %get3A_77 = arith.constant 0 : index
      %get3A_78 = vector.load %arg0[%get3A_76, %get3A_77] : memref<8x8192xf32, #tpu.memory_space<vmem>>, vector<1x8192xf32>
      %get3A_79 = arith.index_cast %mul3A_36 : i32 to index
      %get3A_80 = arith.constant 0 : index
      %get3A_81 = vector.load %arg1[%get3A_79, %get3A_80] : memref<8x8192xf32, #tpu.memory_space<vmem>>, vector<1x8192xf32>
      %get3A_82 = arith.index_cast %mul3A_36 : i32 to index
      %get3A_83 = arith.constant 0 : index
      %get3A_84 = vector.load %arg2[%get3A_82, %get3A_83] : memref<8x8192xf32, #tpu.memory_space<vmem>>, vector<1x8192xf32>
      %concatenate3A = tpu.concatenate %transpose3A, %transpose3A_57, %transpose3A_66 in 1 : vector<256x1xf32>, vector<256x1xf32>, vector<256x1xf32> -> vector<256x3xf32>
      %concatenate3A_85 = tpu.concatenate %get3A_78, %get3A_81, %get3A_84 in 0 : vector<1x8192xf32>, vector<1x8192xf32>, vector<1x8192xf32> -> vector<3x8192xf32>
      %dot_general3A = arith.constant dense<0.000000e+00> : vector<256x8192xf32>
      %dot_general3A_86 = tpu.matmul %concatenate3A, %concatenate3A_85, %dot_general3A {dimension_numbers = #tpu.dot_dimension_numbers<[1], [0], [0], [1], [0, 0, 1, 1], [], []>, transpose_lhs_hint = false} : vector<256x3xf32>, vector<3x8192xf32>, vector<256x8192xf32> -> vector<256x8192xf32>
      %mul3A_87 = arith.mulf %concatenate3A, %concatenate3A : vector<256x3xf32>
      %reduce_sum3A_88 = arith.constant dense<0.000000e+00> : vector<256xf32>
      %reduce_sum3A_89 = vector.multi_reduction <add>, %mul3A_87, %reduce_sum3A_88 [1] : vector<256x3xf32> to vector<256xf32>
      %broadcast_in_dim3A_90 = vector.shape_cast %reduce_sum3A_89 : vector<256xf32> to vector<256x1xf32>
      %mul3A_91 = arith.mulf %get3A_78, %get3A_78 : vector<1x8192xf32>
      %mul3A_92 = arith.mulf %get3A_81, %get3A_81 : vector<1x8192xf32>
      %add3A_93 = arith.addf %mul3A_91, %mul3A_92 : vector<1x8192xf32>
      %mul3A_94 = arith.mulf %get3A_84, %get3A_84 : vector<1x8192xf32>
      %add3A_95 = arith.addf %add3A_93, %mul3A_94 : vector<1x8192xf32>
      %add3A_96 = vector.broadcast %broadcast_in_dim3A_90 : vector<256x1xf32> to vector<256x8192xf32>
      %add3A_97 = vector.broadcast %add3A_95 : vector<1x8192xf32> to vector<256x8192xf32>
      %add3A_98 = arith.addf %add3A_96, %add3A_97 : vector<256x8192xf32>
      %mul3A_99 = arith.constant 2.000000e+00 : f32
      %mul3A_100 = vector.broadcast %mul3A_99 : f32 to vector<256x8192xf32>
      %mul3A_101 = arith.mulf %mul3A_100, %dot_general3A_86 : vector<256x8192xf32>
      %sub3A = arith.subf %add3A_98, %mul3A_101 : vector<256x8192xf32>
      %eq3A_102 = vector.broadcast %add3A_39 : i32 to vector<8x1xi32>
      %eq3A_103 = arith.cmpi eq, %iota3A_29, %eq3A_102 : vector<8x1xi32>
      %jit3A_104 = arith.constant 0.000000e+00 : f32
      %broadcast_in_dim3A_105 = vector.shape_cast %eq3A_103 : vector<8x1xi1> to vector<8x1xi1>
      %broadcast_in_dim3A_106 = vector.broadcast %broadcast_in_dim3A_105 : vector<8x1xi1> to vector<8x256xi1>
      %broadcast_in_dim3A_107 = vector.broadcast %jit3A_104 : f32 to vector<8x256xf32>
      %select_n3A_108 = arith.select %broadcast_in_dim3A_106, %get3A_1, %broadcast_in_dim3A_107 : vector<8x256xi1>, vector<8x256xf32>
      %reduce_sum3A_109 = arith.constant dense<0.000000e+00> : vector<256xf32>
      %reduce_sum3A_110 = vector.multi_reduction <add>, %select_n3A_108, %reduce_sum3A_109 [0] : vector<8x256xf32> to vector<256xf32>
      %broadcast_in_dim3A_111 = vector.shape_cast %reduce_sum3A_110 : vector<256xf32> to vector<1x256xf32>
      %transpose3A_112 = tpu.transpose %broadcast_in_dim3A_111, [1, 0] : vector<1x256xf32> -> vector<256x1xf32>
      %jit3A_113 = arith.constant 0.000000e+00 : f32
      %broadcast_in_dim3A_114 = vector.shape_cast %eq3A_103 : vector<8x1xi1> to vector<8x1xi1>
      %broadcast_in_dim3A_115 = vector.broadcast %broadcast_in_dim3A_114 : vector<8x1xi1> to vector<8x256xi1>
      %broadcast_in_dim3A_116 = vector.broadcast %jit3A_113 : f32 to vector<8x256xf32>
      %select_n3A_117 = arith.select %broadcast_in_dim3A_115, %get3A_4, %broadcast_in_dim3A_116 : vector<8x256xi1>, vector<8x256xf32>
      %reduce_sum3A_118 = arith.constant dense<0.000000e+00> : vector<256xf32>
      %reduce_sum3A_119 = vector.multi_reduction <add>, %select_n3A_117, %reduce_sum3A_118 [0] : vector<8x256xf32> to vector<256xf32>
      %broadcast_in_dim3A_120 = vector.shape_cast %reduce_sum3A_119 : vector<256xf32> to vector<1x256xf32>
      %transpose3A_121 = tpu.transpose %broadcast_in_dim3A_120, [1, 0] : vector<1x256xf32> -> vector<256x1xf32>
      %jit3A_122 = arith.constant 0.000000e+00 : f32
      %broadcast_in_dim3A_123 = vector.shape_cast %eq3A_103 : vector<8x1xi1> to vector<8x1xi1>
      %broadcast_in_dim3A_124 = vector.broadcast %broadcast_in_dim3A_123 : vector<8x1xi1> to vector<8x256xi1>
      %broadcast_in_dim3A_125 = vector.broadcast %jit3A_122 : f32 to vector<8x256xf32>
      %select_n3A_126 = arith.select %broadcast_in_dim3A_124, %get3A_7, %broadcast_in_dim3A_125 : vector<8x256xi1>, vector<8x256xf32>
      %reduce_sum3A_127 = arith.constant dense<0.000000e+00> : vector<256xf32>
      %reduce_sum3A_128 = vector.multi_reduction <add>, %select_n3A_126, %reduce_sum3A_127 [0] : vector<8x256xf32> to vector<256xf32>
      %broadcast_in_dim3A_129 = vector.shape_cast %reduce_sum3A_128 : vector<256xf32> to vector<1x256xf32>
      %transpose3A_130 = tpu.transpose %broadcast_in_dim3A_129, [1, 0] : vector<1x256xf32> -> vector<256x1xf32>
      %jit3A_131 = arith.constant 0 : i32
      %broadcast_in_dim3A_132 = vector.shape_cast %eq3A_103 : vector<8x1xi1> to vector<8x1xi1>
      %broadcast_in_dim3A_133 = vector.broadcast %broadcast_in_dim3A_132 : vector<8x1xi1> to vector<8x256xi1>
      %broadcast_in_dim3A_134 = vector.broadcast %jit3A_131 : i32 to vector<8x256xi32>
      %select_n3A_135 = arith.select %broadcast_in_dim3A_133, %scan3A_24#2, %broadcast_in_dim3A_134 : vector<8x256xi1>, vector<8x256xi32>
      %reduce_sum3A_136 = arith.constant dense<0> : vector<256xi32>
      %reduce_sum3A_137 = vector.multi_reduction <add>, %select_n3A_135, %reduce_sum3A_136 [0] : vector<8x256xi32> to vector<256xi32>
      %broadcast_in_dim3A_138 = vector.shape_cast %reduce_sum3A_137 : vector<256xi32> to vector<1x256xi32>
      %transpose3A_139 = tpu.transpose %broadcast_in_dim3A_138, [1, 0] : vector<1x256xi32> -> vector<256x1xi32>
      %get3A_140 = arith.index_cast %add3A_39 : i32 to index
      %get3A_141 = arith.constant 0 : index
      %get3A_142 = vector.load %arg0[%get3A_140, %get3A_141] : memref<8x8192xf32, #tpu.memory_space<vmem>>, vector<1x8192xf32>
      %get3A_143 = arith.index_cast %add3A_39 : i32 to index
      %get3A_144 = arith.constant 0 : index
      %get3A_145 = vector.load %arg1[%get3A_143, %get3A_144] : memref<8x8192xf32, #tpu.memory_space<vmem>>, vector<1x8192xf32>
      %get3A_146 = arith.index_cast %add3A_39 : i32 to index
      %get3A_147 = arith.constant 0 : index
      %get3A_148 = vector.load %arg2[%get3A_146, %get3A_147] : memref<8x8192xf32, #tpu.memory_space<vmem>>, vector<1x8192xf32>
      %concatenate3A_149 = tpu.concatenate %transpose3A_112, %transpose3A_121, %transpose3A_130 in 1 : vector<256x1xf32>, vector<256x1xf32>, vector<256x1xf32> -> vector<256x3xf32>
      %concatenate3A_150 = tpu.concatenate %get3A_142, %get3A_145, %get3A_148 in 0 : vector<1x8192xf32>, vector<1x8192xf32>, vector<1x8192xf32> -> vector<3x8192xf32>
      %dot_general3A_151 = arith.constant dense<0.000000e+00> : vector<256x8192xf32>
      %dot_general3A_152 = tpu.matmul %concatenate3A_149, %concatenate3A_150, %dot_general3A_151 {dimension_numbers = #tpu.dot_dimension_numbers<[1], [0], [0], [1], [0, 0, 1, 1], [], []>, transpose_lhs_hint = false} : vector<256x3xf32>, vector<3x8192xf32>, vector<256x8192xf32> -> vector<256x8192xf32>
      %mul3A_153 = arith.mulf %concatenate3A_149, %concatenate3A_149 : vector<256x3xf32>
      %reduce_sum3A_154 = arith.constant dense<0.000000e+00> : vector<256xf32>
      %reduce_sum3A_155 = vector.multi_reduction <add>, %mul3A_153, %reduce_sum3A_154 [1] : vector<256x3xf32> to vector<256xf32>
      %broadcast_in_dim3A_156 = vector.shape_cast %reduce_sum3A_155 : vector<256xf32> to vector<256x1xf32>
      %mul3A_157 = arith.mulf %get3A_142, %get3A_142 : vector<1x8192xf32>
      %mul3A_158 = arith.mulf %get3A_145, %get3A_145 : vector<1x8192xf32>
      %add3A_159 = arith.addf %mul3A_157, %mul3A_158 : vector<1x8192xf32>
      %mul3A_160 = arith.mulf %get3A_148, %get3A_148 : vector<1x8192xf32>
      %add3A_161 = arith.addf %add3A_159, %mul3A_160 : vector<1x8192xf32>
      %add3A_162 = vector.broadcast %broadcast_in_dim3A_156 : vector<256x1xf32> to vector<256x8192xf32>
      %add3A_163 = vector.broadcast %add3A_161 : vector<1x8192xf32> to vector<256x8192xf32>
      %add3A_164 = arith.addf %add3A_162, %add3A_163 : vector<256x8192xf32>
      %mul3A_165 = arith.constant 2.000000e+00 : f32
      %mul3A_166 = vector.broadcast %mul3A_165 : f32 to vector<256x8192xf32>
      %mul3A_167 = arith.mulf %mul3A_166, %dot_general3A_152 : vector<256x8192xf32>
      %sub3A_168 = arith.subf %add3A_164, %mul3A_167 : vector<256x8192xf32>
      %broadcast_in_dim3A_169 = arith.constant 0xFF800000 : f32
      %broadcast_in_dim3A_170 = vector.broadcast %broadcast_in_dim3A_169 : f32 to vector<256x1xf32>
      %broadcast_in_dim3A_171 = arith.constant -1 : i32
      %broadcast_in_dim3A_172 = vector.broadcast %broadcast_in_dim3A_171 : i32 to vector<256x1xi32>
      %broadcast_in_dim3A_173 = arith.constant 0 : i32
      %broadcast_in_dim3A_174 = vector.broadcast %broadcast_in_dim3A_173 : i32 to vector<256x32xi32>
      %scan3A_175 = arith.constant 0 : i32
      %scan3A_176 = arith.constant 32 : i32
      %scan3A_177 = arith.addi %scan3A_175, %scan3A_176 : i32
      %scan3A_178 = arith.constant 1 : i32
      %scan3A_179:6 = scf.for %scan3A_250 = %scan3A_175 to %scan3A_177 step %scan3A_178 iter_args(%scan3A_251 = %broadcast_in_dim3A_170, %scan3A_252 = %broadcast_in_dim3A_172, %scan3A_253 = %broadcast_in_dim3A_174, %scan3A_254 = %broadcast_in_dim3A_170, %scan3A_255 = %broadcast_in_dim3A_172, %scan3A_256 = %broadcast_in_dim3A_174) -> (vector<256x1xf32>, vector<256x1xi32>, vector<256x32xi32>, vector<256x1xf32>, vector<256x1xi32>, vector<256x32xi32>)  : i32 {
        %gt3A = vector.broadcast %scan3A_251 : vector<256x1xf32> to vector<256x8192xf32>
        %gt3A_257 = arith.cmpf ogt, %sub3A, %gt3A : vector<256x8192xf32>
        %eq3A_258 = vector.broadcast %scan3A_251 : vector<256x1xf32> to vector<256x8192xf32>
        %eq3A_259 = arith.cmpf oeq, %sub3A, %eq3A_258 : vector<256x8192xf32>
        %gt3A_260 = vector.broadcast %scan3A_252 : vector<256x1xi32> to vector<256x8192xi32>
        %gt3A_261 = arith.cmpi sgt, %iota3A_26, %gt3A_260 : vector<256x8192xi32>
        %and3A = arith.andi %eq3A_259, %gt3A_261 : vector<256x8192xi1>
        %or3A = arith.ori %gt3A_257, %and3A : vector<256x8192xi1>
        %jit3A_262 = arith.constant 0x7F800000 : f32
        %broadcast_in_dim3A_263 = vector.broadcast %jit3A_262 : f32 to vector<256x8192xf32>
        %select_n3A_264 = arith.select %or3A, %sub3A, %broadcast_in_dim3A_263 : vector<256x8192xi1>, vector<256x8192xf32>
        %reduce_min3A = arith.constant dense<0x7F800000> : vector<256xf32>
        %reduce_min3A_265 = vector.multi_reduction <minimumf>, %select_n3A_264, %reduce_min3A [1] : vector<256x8192xf32> to vector<256xf32>
        %broadcast_in_dim3A_266 = vector.shape_cast %reduce_min3A_265 : vector<256xf32> to vector<256x1xf32>
        %eq3A_267 = arith.cmpf oeq, %broadcast_in_dim3A_266, %scan3A_251 : vector<256x1xf32>
        %eq3A_268 = vector.broadcast %broadcast_in_dim3A_266 : vector<256x1xf32> to vector<256x8192xf32>
        %eq3A_269 = arith.cmpf oeq, %sub3A, %eq3A_268 : vector<256x8192xf32>
        %not3A = arith.constant dense<true> : vector<256x1xi1>
        %not3A_270 = arith.xori %eq3A_267, %not3A : vector<256x1xi1>
        %gt3A_271 = vector.broadcast %scan3A_252 : vector<256x1xi32> to vector<256x8192xi32>
        %gt3A_272 = arith.cmpi sgt, %iota3A_26, %gt3A_271 : vector<256x8192xi32>
        %or3A_273 = vector.broadcast %not3A_270 : vector<256x1xi1> to vector<256x8192xi1>
        %or3A_274 = arith.ori %or3A_273, %gt3A_272 : vector<256x8192xi1>
        %and3A_275 = arith.andi %eq3A_269, %or3A_274 : vector<256x8192xi1>
        %jit3A_276 = arith.constant 8192 : i32
        %broadcast_in_dim3A_277 = vector.broadcast %jit3A_276 : i32 to vector<256x8192xi32>
        %select_n3A_278 = arith.select %and3A_275, %iota3A_26, %broadcast_in_dim3A_277 : vector<256x8192xi1>, vector<256x8192xi32>
        %reduce_min3A_279 = arith.constant dense<2147483647> : vector<256xi32>
        %reduce_min3A_280 = vector.multi_reduction <minsi>, %select_n3A_278, %reduce_min3A_279 [1] : vector<256x8192xi32> to vector<256xi32>
        %broadcast_in_dim3A_281 = vector.shape_cast %reduce_min3A_280 : vector<256xi32> to vector<256x1xi32>
        %gt3A_282 = vector.broadcast %scan3A_254 : vector<256x1xf32> to vector<256x8192xf32>
        %gt3A_283 = arith.cmpf ogt, %sub3A_168, %gt3A_282 : vector<256x8192xf32>
        %eq3A_284 = vector.broadcast %scan3A_254 : vector<256x1xf32> to vector<256x8192xf32>
        %eq3A_285 = arith.cmpf oeq, %sub3A_168, %eq3A_284 : vector<256x8192xf32>
        %gt3A_286 = vector.broadcast %scan3A_255 : vector<256x1xi32> to vector<256x8192xi32>
        %gt3A_287 = arith.cmpi sgt, %iota3A_26, %gt3A_286 : vector<256x8192xi32>
        %and3A_288 = arith.andi %eq3A_285, %gt3A_287 : vector<256x8192xi1>
        %or3A_289 = arith.ori %gt3A_283, %and3A_288 : vector<256x8192xi1>
        %jit3A_290 = arith.constant 0x7F800000 : f32
        %broadcast_in_dim3A_291 = vector.broadcast %jit3A_290 : f32 to vector<256x8192xf32>
        %select_n3A_292 = arith.select %or3A_289, %sub3A_168, %broadcast_in_dim3A_291 : vector<256x8192xi1>, vector<256x8192xf32>
        %reduce_min3A_293 = arith.constant dense<0x7F800000> : vector<256xf32>
        %reduce_min3A_294 = vector.multi_reduction <minimumf>, %select_n3A_292, %reduce_min3A_293 [1] : vector<256x8192xf32> to vector<256xf32>
        %broadcast_in_dim3A_295 = vector.shape_cast %reduce_min3A_294 : vector<256xf32> to vector<256x1xf32>
        %eq3A_296 = arith.cmpf oeq, %broadcast_in_dim3A_295, %scan3A_254 : vector<256x1xf32>
        %eq3A_297 = vector.broadcast %broadcast_in_dim3A_295 : vector<256x1xf32> to vector<256x8192xf32>
        %eq3A_298 = arith.cmpf oeq, %sub3A_168, %eq3A_297 : vector<256x8192xf32>
        %not3A_299 = arith.constant dense<true> : vector<256x1xi1>
        %not3A_300 = arith.xori %eq3A_296, %not3A_299 : vector<256x1xi1>
        %gt3A_301 = vector.broadcast %scan3A_255 : vector<256x1xi32> to vector<256x8192xi32>
        %gt3A_302 = arith.cmpi sgt, %iota3A_26, %gt3A_301 : vector<256x8192xi32>
        %or3A_303 = vector.broadcast %not3A_300 : vector<256x1xi1> to vector<256x8192xi1>
        %or3A_304 = arith.ori %or3A_303, %gt3A_302 : vector<256x8192xi1>
        %and3A_305 = arith.andi %eq3A_298, %or3A_304 : vector<256x8192xi1>
        %jit3A_306 = arith.constant 8192 : i32
        %broadcast_in_dim3A_307 = vector.broadcast %jit3A_306 : i32 to vector<256x8192xi32>
        %select_n3A_308 = arith.select %and3A_305, %iota3A_26, %broadcast_in_dim3A_307 : vector<256x8192xi1>, vector<256x8192xi32>
        %reduce_min3A_309 = arith.constant dense<2147483647> : vector<256xi32>
        %reduce_min3A_310 = vector.multi_reduction <minsi>, %select_n3A_308, %reduce_min3A_309 [1] : vector<256x8192xi32> to vector<256xi32>
        %broadcast_in_dim3A_311 = vector.shape_cast %reduce_min3A_310 : vector<256xi32> to vector<256x1xi32>
        %eq3A_312 = vector.broadcast %scan3A_250 : i32 to vector<256x32xi32>
        %eq3A_313 = arith.cmpi eq, %iota3A_27, %eq3A_312 : vector<256x32xi32>
        %broadcast_in_dim3A_314 = vector.shape_cast %broadcast_in_dim3A_281 : vector<256x1xi32> to vector<256x1xi32>
        %broadcast_in_dim3A_315 = vector.broadcast %broadcast_in_dim3A_314 : vector<256x1xi32> to vector<256x32xi32>
        %select_n3A_316 = arith.select %eq3A_313, %broadcast_in_dim3A_315, %scan3A_253 : vector<256x32xi1>, vector<256x32xi32>
        %broadcast_in_dim3A_317 = vector.shape_cast %broadcast_in_dim3A_311 : vector<256x1xi32> to vector<256x1xi32>
        %broadcast_in_dim3A_318 = vector.broadcast %broadcast_in_dim3A_317 : vector<256x1xi32> to vector<256x32xi32>
        %select_n3A_319 = arith.select %eq3A_313, %broadcast_in_dim3A_318, %scan3A_256 : vector<256x32xi1>, vector<256x32xi32>
        scf.yield %broadcast_in_dim3A_266, %broadcast_in_dim3A_281, %select_n3A_316, %broadcast_in_dim3A_295, %broadcast_in_dim3A_311, %select_n3A_319 : vector<256x1xf32>, vector<256x1xi32>, vector<256x32xi32>, vector<256x1xf32>, vector<256x1xi32>, vector<256x32xi32>
      }
      %scan3A_180 = arith.constant 32 : i32
      %eq3A_181 = vector.broadcast %transpose3A_75 : vector<256x1xi32> to vector<256x256xi32>
      %eq3A_182 = arith.cmpi eq, %eq3A_181, %iota3A_28 : vector<256x256xi32>
      %convert_element_type3A_183 = arith.extui %eq3A_182 : vector<256x256xi1> to vector<256x256xi32>
      %convert_element_type3A_184 = arith.sitofp %convert_element_type3A_183 : vector<256x256xi32> to vector<256x256xf32>
      %convert_element_type3A_185 = arith.sitofp %scan3A_179#2 : vector<256x32xi32> to vector<256x32xf32>
      %dot_general3A_186 = arith.constant dense<0.000000e+00> : vector<256x32xf32>
      %dot_general3A_187 = tpu.matmul %convert_element_type3A_184, %convert_element_type3A_185, %dot_general3A_186 {dimension_numbers = #tpu.dot_dimension_numbers<[1], [0], [0], [1], [0, 0, 1, 1], [], []>, precision = #tpu.contract_precision<fp32>, transpose_lhs_hint = false} : vector<256x256xf32>, vector<256x32xf32>, vector<256x32xf32> -> vector<256x32xf32>
      %convert_element_type3A_188 = arith.fptosi %dot_general3A_187 : vector<256x32xf32> to vector<256x32xi32>
      %mul3A_189 = arith.constant 8192 : i32
      %mul3A_190 = arith.muli %mul3A_36, %mul3A_189 : i32
      %add3A_191 = vector.broadcast %mul3A_190 : i32 to vector<256x32xi32>
      %add3A_192 = arith.addi %convert_element_type3A_188, %add3A_191 : vector<256x32xi32>
      %broadcast_in_dim3A_193 = vector.shape_cast %add3A_192 : vector<256x32xi32> to vector<1x256x32xi32>
      %swap3A = arith.index_cast %mul3A_36 : i32 to index
      %swap3A_194 = arith.constant 0 : index
      %swap3A_195 = arith.constant 0 : index
      %swap3A_196 = vector.load %arg7[%swap3A, %swap3A_194, %swap3A_195] : memref<8x256x32xi32, #tpu.memory_space<vmem>>, vector<1x256x32xi32>
      tpu.vector_store %arg7[%swap3A, %swap3A_194, %swap3A_195], %broadcast_in_dim3A_193 {strides = array<i32>} : memref<8x256x32xi32, #tpu.memory_space<vmem>>, vector<1x256x32xi32>,
      %dot_general3A_197 = arith.constant dense<0.000000e+00> : vector<256x1xf32>
      %dot_general3A_198 = tpu.matmul %convert_element_type3A_184, %transpose3A, %dot_general3A_197 {dimension_numbers = #tpu.dot_dimension_numbers<[1], [0], [0], [1], [0, 0, 1, 1], [], []>, precision = #tpu.contract_precision<fp32>, transpose_lhs_hint = false} : vector<256x256xf32>, vector<256x1xf32>, vector<256x1xf32> -> vector<256x1xf32>
      %transpose3A_199 = tpu.transpose %dot_general3A_198, [1, 0] : vector<256x1xf32> -> vector<1x256xf32>
      %swap3A_200 = arith.index_cast %mul3A_36 : i32 to index
      %swap3A_201 = arith.constant 0 : index
      %swap3A_202 = vector.load %arg8[%swap3A_200, %swap3A_201] : memref<8x256xf32, #tpu.memory_space<vmem>>, vector<1x256xf32>
      tpu.vector_store %arg8[%swap3A_200, %swap3A_201], %transpose3A_199 {strides = array<i32>} : memref<8x256xf32, #tpu.memory_space<vmem>>, vector<1x256xf32>,
      %dot_general3A_203 = arith.constant dense<0.000000e+00> : vector<256x1xf32>
      %dot_general3A_204 = tpu.matmul %convert_element_type3A_184, %transpose3A_57, %dot_general3A_203 {dimension_numbers = #tpu.dot_dimension_numbers<[1], [0], [0], [1], [0, 0, 1, 1], [], []>, precision = #tpu.contract_precision<fp32>, transpose_lhs_hint = false} : vector<256x256xf32>, vector<256x1xf32>, vector<256x1xf32> -> vector<256x1xf32>
      %transpose3A_205 = tpu.transpose %dot_general3A_204, [1, 0] : vector<256x1xf32> -> vector<1x256xf32>
      %swap3A_206 = arith.index_cast %mul3A_36 : i32 to index
      %swap3A_207 = arith.constant 0 : index
      %swap3A_208 = vector.load %arg9[%swap3A_206, %swap3A_207] : memref<8x256xf32, #tpu.memory_space<vmem>>, vector<1x256xf32>
      tpu.vector_store %arg9[%swap3A_206, %swap3A_207], %transpose3A_205 {strides = array<i32>} : memref<8x256xf32, #tpu.memory_space<vmem>>, vector<1x256xf32>,
      %dot_general3A_209 = arith.constant dense<0.000000e+00> : vector<256x1xf32>
      %dot_general3A_210 = tpu.matmul %convert_element_type3A_184, %transpose3A_66, %dot_general3A_209 {dimension_numbers = #tpu.dot_dimension_numbers<[1], [0], [0], [1], [0, 0, 1, 1], [], []>, precision = #tpu.contract_precision<fp32>, transpose_lhs_hint = false} : vector<256x256xf32>, vector<256x1xf32>, vector<256x1xf32> -> vector<256x1xf32>
      %transpose3A_211 = tpu.transpose %dot_general3A_210, [1, 0] : vector<256x1xf32> -> vector<1x256xf32>
      %swap3A_212 = arith.index_cast %mul3A_36 : i32 to index
      %swap3A_213 = arith.constant 0 : index
      %swap3A_214 = vector.load %arg10[%swap3A_212, %swap3A_213] : memref<8x256xf32, #tpu.memory_space<vmem>>, vector<1x256xf32>
      tpu.vector_store %arg10[%swap3A_212, %swap3A_213], %transpose3A_211 {strides = array<i32>} : memref<8x256xf32, #tpu.memory_space<vmem>>, vector<1x256xf32>,
      %eq3A_215 = vector.broadcast %transpose3A_139 : vector<256x1xi32> to vector<256x256xi32>
      %eq3A_216 = arith.cmpi eq, %eq3A_215, %iota3A_28 : vector<256x256xi32>
      %convert_element_type3A_217 = arith.extui %eq3A_216 : vector<256x256xi1> to vector<256x256xi32>
      %convert_element_type3A_218 = arith.sitofp %convert_element_type3A_217 : vector<256x256xi32> to vector<256x256xf32>
      %convert_element_type3A_219 = arith.sitofp %scan3A_179#5 : vector<256x32xi32> to vector<256x32xf32>
      %dot_general3A_220 = arith.constant dense<0.000000e+00> : vector<256x32xf32>
      %dot_general3A_221 = tpu.matmul %convert_element_type3A_218, %convert_element_type3A_219, %dot_general3A_220 {dimension_numbers = #tpu.dot_dimension_numbers<[1], [0], [0], [1], [0, 0, 1, 1], [], []>, precision = #tpu.contract_precision<fp32>, transpose_lhs_hint = false} : vector<256x256xf32>, vector<256x32xf32>, vector<256x32xf32> -> vector<256x32xf32>
      %convert_element_type3A_222 = arith.fptosi %dot_general3A_221 : vector<256x32xf32> to vector<256x32xi32>
      %mul3A_223 = arith.constant 8192 : i32
      %mul3A_224 = arith.muli %add3A_39, %mul3A_223 : i32
      %add3A_225 = vector.broadcast %mul3A_224 : i32 to vector<256x32xi32>
      %add3A_226 = arith.addi %convert_element_type3A_222, %add3A_225 : vector<256x32xi32>
      %broadcast_in_dim3A_227 = vector.shape_cast %add3A_226 : vector<256x32xi32> to vector<1x256x32xi32>
      %swap3A_228 = arith.index_cast %add3A_39 : i32 to index
      %swap3A_229 = arith.constant 0 : index
      %swap3A_230 = arith.constant 0 : index
      %swap3A_231 = vector.load %arg7[%swap3A_228, %swap3A_229, %swap3A_230] : memref<8x256x32xi32, #tpu.memory_space<vmem>>, vector<1x256x32xi32>
      tpu.vector_store %arg7[%swap3A_228, %swap3A_229, %swap3A_230], %broadcast_in_dim3A_227 {strides = array<i32>} : memref<8x256x32xi32, #tpu.memory_space<vmem>>, vector<1x256x32xi32>,
      %dot_general3A_232 = arith.constant dense<0.000000e+00> : vector<256x1xf32>
      %dot_general3A_233 = tpu.matmul %convert_element_type3A_218, %transpose3A_112, %dot_general3A_232 {dimension_numbers = #tpu.dot_dimension_numbers<[1], [0], [0], [1], [0, 0, 1, 1], [], []>, precision = #tpu.contract_precision<fp32>, transpose_lhs_hint = false} : vector<256x256xf32>, vector<256x1xf32>, vector<256x1xf32> -> vector<256x1xf32>
      %transpose3A_234 = tpu.transpose %dot_general3A_233, [1, 0] : vector<256x1xf32> -> vector<1x256xf32>
      %swap3A_235 = arith.index_cast %add3A_39 : i32 to index
      %swap3A_236 = arith.constant 0 : index
      %swap3A_237 = vector.load %arg8[%swap3A_235, %swap3A_236] : memref<8x256xf32, #tpu.memory_space<vmem>>, vector<1x256xf32>
      tpu.vector_store %arg8[%swap3A_235, %swap3A_236], %transpose3A_234 {strides = array<i32>} : memref<8x256xf32, #tpu.memory_space<vmem>>, vector<1x256xf32>,
      %dot_general3A_238 = arith.constant dense<0.000000e+00> : vector<256x1xf32>
      %dot_general3A_239 = tpu.matmul %convert_element_type3A_218, %transpose3A_121, %dot_general3A_238 {dimension_numbers = #tpu.dot_dimension_numbers<[1], [0], [0], [1], [0, 0, 1, 1], [], []>, precision = #tpu.contract_precision<fp32>, transpose_lhs_hint = false} : vector<256x256xf32>, vector<256x1xf32>, vector<256x1xf32> -> vector<256x1xf32>
      %transpose3A_240 = tpu.transpose %dot_general3A_239, [1, 0] : vector<256x1xf32> -> vector<1x256xf32>
      %swap3A_241 = arith.index_cast %add3A_39 : i32 to index
      %swap3A_242 = arith.constant 0 : index
      %swap3A_243 = vector.load %arg9[%swap3A_241, %swap3A_242] : memref<8x256xf32, #tpu.memory_space<vmem>>, vector<1x256xf32>
      tpu.vector_store %arg9[%swap3A_241, %swap3A_242], %transpose3A_240 {strides = array<i32>} : memref<8x256xf32, #tpu.memory_space<vmem>>, vector<1x256xf32>,
      %dot_general3A_244 = arith.constant dense<0.000000e+00> : vector<256x1xf32>
      %dot_general3A_245 = tpu.matmul %convert_element_type3A_218, %transpose3A_130, %dot_general3A_244 {dimension_numbers = #tpu.dot_dimension_numbers<[1], [0], [0], [1], [0, 0, 1, 1], [], []>, precision = #tpu.contract_precision<fp32>, transpose_lhs_hint = false} : vector<256x256xf32>, vector<256x1xf32>, vector<256x1xf32> -> vector<256x1xf32>
      %transpose3A_246 = tpu.transpose %dot_general3A_245, [1, 0] : vector<256x1xf32> -> vector<1x256xf32>
      %swap3A_247 = arith.index_cast %add3A_39 : i32 to index
      %swap3A_248 = arith.constant 0 : index
      %swap3A_249 = vector.load %arg10[%swap3A_247, %swap3A_248] : memref<8x256xf32, #tpu.memory_space<vmem>>, vector<1x256xf32>
      tpu.vector_store %arg10[%swap3A_247, %swap3A_248], %transpose3A_246 {strides = array<i32>} : memref<8x256xf32, #tpu.memory_space<vmem>>, vector<1x256xf32>,
    }
    %scan3A_34 = arith.constant 4 : i32
    return
  }
}

</mosaic_0001>

<sc_bundles>
// kernel: kernel.5.cloned.1.call-start
scs
__scs_entry_jumppad:
0x0: {  	(pc) =	sbr.rel $0x88, $3  }
0x1: {  	(tag) =	ssettag $0x0;
	lr =	simm.s32 $0x1  }
0x2: {  	[smem:$0x3FA0] =	sst lr;
	_ =	strace $0xD0000000  }
0x3: {  	_ = 	snop  }
0x4: {  	_ = 	snop  }
0x5: {  	_ = 	snop  }
0x6: {  	_ = 	snop  }
0x7: {  	_ = 	snop  }
__scs_overlays_trampoline_lowered:
0x8: {  	[smem:$0x3FAF] =	sst s0  }
0x9: {  	[smem:$0x3FB0] =	sst s1  }
0xa: {  	[smem:$0x3FB1] =	sst s2  }
0xb: {  	[smem:$0x3FB2] =	sst s3  }
0xc: {  	[smem:$0x3FB3] =	sst s4  }
0xd: {  	[smem:$0x3FB4] =	sst s5  }
0xe: {  	[smem:$0x3FB5] =	sst s6  }
0xf: {  	[smem:$0x3FB6] =	sst s7  }
0x10: {  	[smem:$0x3FB7] =	sst s8  }
0x11: {  	[smem:$0x3FB8] =	sst s9;
	s0 =	simm.s32 @!p0 $0x0  }
0x12: {  	s1 =	sld [smem:$0x3F9E];
	s0 =	simm.s32 @p0 $0x1  }
0x13: {  	[smem:$0x3FB9] =	sst s0;
	s0 =	simm.s32 @!p1 $0x0  }
0x14: {  	s2 =	sld [smem:$0x3F9D];
	s0 =	simm.s32 @p1 $0x1  }
0x15: {  	[smem:$0x3FBA] =	sst s0;
	s0 =	simm.s32 @!p2 $0x0  }
0x16: {  	s3 =	sld [smem:$0x3FDB];
	s0 =	simm.s32 @p2 $0x1  }
0x17: {  	s4 =	simm.s32 $0x1BF5;
	[smem:$0x3FBC] =	sst s0  }
0x18: {  	s0 =	sld [smem:$0x3F9F];
	_ =	swait.ge [sflag:s4], $0x0  }
0x19: {  	s7 =	sld [smem:$0x3FA0]  }
0x1a: {  	s8 =	sadd.s32 $0xFFFFE003, lr  }
0x1b: {  	s9 =	sadd.s32 $0xFFFFFEF7, lr;
	s5 =	simm.s32 $0xFFFFFFFF;
	p2 =	slt.u32 s8, $0xFFFFF086  }
0x1c: {  	p1 =	slt.u32 s9, $0xF7A;
	s5 =	simm.s32 @!p2 $0x0  }
0x1d: {  	s5 =	simm.s32 @p1 $0x1;
	p0 =	seq.s32 s7, s2  }
0x1e: {  	s7 =	smul.u32 @!p0 $0xF7A, s2;
	p2 =	seq.s32 @!p0 s5, $0x0  }
0x1f: {  	s9 =	smul.u32 $0xF7A, s1;
	s8 =	simm.s32 @!p0 $0x1BF5;
	p2 =	por !p2, p0  }
0x20: {  	[sflag:s8] =	ssyncset.s32 @!p0 $0xFFFFF086;
	s6 =	sadd.s32 @!p0 s3, s7;
	s7 =	simm.s32 @!p0 $0x108  }
0x21: {  	s3 =	sadd.s32 s3, s9;
	s6 =	sadd.s32 @!p0 $0x88, s6;
	s7 =	simm.s32 @p2 $0x1082  }
0x22: {  	[simem:s7], [sflag:s8] =	dma.local @!p0 [hbm:s6], $0xF7A  }
0x23: {  	s9 =	sor.u32 $0xD0000000, s2;
	s6 =	simm.s32 $0x108;
	_ =	swait.ge @!p0 [sflag:s8], $0x0  }
0x24: {  	s3 =	sadd.s32 $0x88, s3;
	s6 =	simm.s32 @!p1 $0x1082;
	[sflag:s4] =	ssyncset.s32 $0xFFFFF086  }
0x25: {  	[simem:s6], [sflag:s4] =	dma.local [hbm:s3], $0xF7A  }
0x26: {  	[smem:$0x3FA0] =	sst s1;
	(tag) =	ssettag s2;
	_ =	strace s9  }
0x27: {  	s1 =	sld [smem:$0x3FB0]  }
0x28: {  	s2 =	sld [smem:$0x3FB1]  }
0x29: {  	s4 =	sld [smem:$0x3FB3]  }
0x2a: {  	p0 =	seq.s32 s5, $0x0;
	s5 =	sld [smem:$0x3FB4]  }
0x2b: {  	s6 =	sld [smem:$0x3FB5]  }
0x2c: {  	s7 =	sld [smem:$0x3FB6]  }
0x2d: {  	s3 =	simm.s32 $0x108;
	s8 =	sld [smem:$0x3FB7]  }
0x2e: {  	s3 =	simm.s32 @!p0 $0x1082;
	s9 =	sld [smem:$0x3FB8]  }
0x2f: {  	lr =	sadd.s32 s0, s3;
	s0 =	sld [smem:$0x3FAF]  }
0x30: {  	s3 =	sld [smem:$0x3FB2]  }
0x31: {  	[smem:$0x3FBB] =	sst s10  }
0x32: {  	s10 =	sld [smem:$0x3FB9];
	_ =	sdelay $0x3  }
0x33: {  	p0 =	seq.s32 s10, $0x1;
	s10 =	sld [smem:$0x3FBB];
	_ =	sdelay $0x3  }
0x34: {  	[smem:$0x3FBB] =	sst s10  }
0x35: {  	s10 =	sld [smem:$0x3FBA];
	_ =	sdelay $0x3  }
0x36: {  	p1 =	seq.s32 s10, $0x1;
	s10 =	sld [smem:$0x3FBB];
	_ =	sdelay $0x3  }
0x37: {  	[smem:$0x3FBB] =	sst s10  }
0x38: {  	s10 =	sld [smem:$0x3FBC]  }
0x39: {  	_ = 	snop;
	(pc) =	sbr.ind lr, $3  }
0x3a: {  	_ = 	snop  }
0x3b: {  	_ = 	snop  }
0x3c: {  	p2 =	seq.s32 s10, $0x1;
	s10 =	sld [smem:$0x3FBB]  }
0x3d: {  	_ =	shalt  }
0x3e: {  	_ =	shalt  }
0x3f: {  	_ =	shalt  }
0x40: {  	_ =	shalt  }
0x41: {  	_ =	shalt  }
0x42: {  	_ =	shalt  }
0x43: {  	_ =	shalt  }
0x44: {  	_ =	shalt  }
0x45: {  	_ =	shalt  }
0x46: {  	_ =	shalt  }
0x47: {  	_ =	shalt  }
0x48: {  	_ =	shalt  }
0x49: {  	_ =	shalt  }
0x4a: {  	_ =	shalt  }
0x4b: {  	_ =	shalt  }
0x4c: {  	_ =	shalt  }
0x4d: {  	_ =	shalt  }
0x4e: {  	_ =	shalt  }
0x4f: {  	_ =	shalt  }
0x50: {  	_ =	shalt  }
0x51: {  	_ =	shalt  }
0x52: {  	_ =	shalt  }
0x53: {  	_ =	shalt  }
0x54: {  	_ =	shalt  }
0x55: {  	_ =	shalt  }
0x56: {  	_ =	shalt  }
0x57: {  	_ =	shalt  }
0x58: {  	_ =	shalt  }
0x59: {  	_ =	shalt  }
0x5a: {  	_ =	shalt  }
0x5b: {  	_ =	shalt  }
0x5c: {  	_ =	shalt  }
0x5d: {  	_ =	shalt  }
0x5e: {  	_ =	shalt  }
0x5f: {  	_ =	shalt  }
0x60: {  	_ =	shalt  }
0x61: {  	_ =	shalt  }
0x62: {  	_ =	shalt  }
0x63: {  	_ =	shalt  }
0x64: {  	_ =	shalt  }
0x65: {  	_ =	shalt  }
0x66: {  	_ =	shalt  }
0x67: {  	_ =	shalt  }
0x68: {  	_ =	shalt  }
0x69: {  	_ =	shalt  }
0x6a: {  	_ =	shalt  }
0x6b: {  	_ =	shalt  }
0x6c: {  	_ =	shalt  }
0x6d: {  	_ =	shalt  }
0x6e: {  	_ =	shalt  }
0x6f: {  	_ =	shalt  }
0x70: {  	_ =	shalt  }
0x71: {  	_ =	shalt  }
0x72: {  	_ =	shalt  }
0x73: {  	_ =	shalt  }
0x74: {  	_ =	shalt  }
0x75: {  	_ =	shalt  }
0x76: {  	_ =	shalt  }
0x77: {  	_ =	shalt  }
0x78: {  	_ =	shalt  }
0x79: {  	_ =	shalt  }
0x7a: {  	_ =	shalt  }
0x7b: {  	_ =	shalt  }
0x7c: {  	_ =	shalt  }
0x7d: {  	_ =	shalt  }
0x7e: {  	_ =	shalt  }
0x7f: {  	_ =	shalt  }
0x80: {  	_ =	shalt  }
0x81: {  	_ =	shalt  }
0x82: {  	_ =	shalt  }
0x83: {  	_ =	shalt  }
0x84: {  	_ =	shalt  }
0x85: {  	_ =	shalt  }
0x86: {  	_ =	shalt  }
0x87: {  	_ =	shalt  }
.Lfunc_end0:
.L_simem_size_0:
called_computation_lowered:
.L_overlay_start_0:
0x88: {  	s2 =	sld [smem:$0x3FD9]  }
0x89: {  	s3 =	sld [smem:$0x3FFE];
	_ =	sdelay $0x1  }
0x8a: {  	s1 =	srdreg.scid  }
0x8b: {  	s0 =	sand.u32 $0x1, s1  }
0x8c: {  	s14 =	sshll.u32 s0, $0xA;
	s2 =	sadd.s32 s3, s2  }
0x8d: {  	s2 =	sadd.s32 s2, s14  }
0x8e: {  	[smem:$0x3FC7] =	sst s2  }
0x8f: {  	_ = 	snop  }
0x90: {  	s2 =	sld [smem:$0x3FD0];
	_ =	sdelay $0x2  }
0x91: {  	s15 =	simm.s32 $0xA;
	s4 =	simm.s32 $0x10  }
0x92: {  	[smem:s4], [sflag:s15] =	dma.local [hbm:s2], $0x1  }
0x93: {  	_ =	swait.eq [sflag:s15], $0x1  }
0x94: {  	[sflag:s15] =	ssyncset.done $0x0  }
0x95: {  	[sflag:s15] =	ssyncadd.s32 $0xFFFFFFFF  }
0x96: {  	s16 =	sld [smem:$0x10];
	(tm) =	ssettm $0x1  }
0x97: {  	s17 =	sld [smem:$0x3FFB];
	_ =	sdelay $0x3  }
0x98: {  	_ =	strace s17  }
0x99: {  	s3 =	sld [smem:$0x3FFC];
	_ =	sdelay $0x3  }
0x9a: {  	_ =	strace s3  }
0x9b: {  	s3 =	sld [smem:$0x3FFD];
	_ =	sdelay $0x3  }
0x9c: {  	_ =	strace s3  }
0x9d: {  	_ =	strace $0x8FFFFFFF  }
0x9e: {  	s18 =	sld [smem:$0x3FDB];
	_ =	sdelay $0x1  }
0x9f: {  	s19 =	simm.s32 $_scs_section_size  }
0xa0: {  	s5 =	simm.s32 $_size__tile_overlayer_lowered;
	s6 =	simm.s32 $_tile_overlayer_lowered  }
0xa1: {  	s22 =	simm.s32 $0x1BFF;
	s21 =	sshll.u32 s6, $0x1;
	s3 =	sadd.s32 s19, s18  }
0xa2: {  	s7 =	simm.s32 $0x0;
	s20 =	sshll.u32 s5, $0x1;
	s5 =	sadd.s32 s21, s3  }
0xa3: {  	[timem:s7], [sflag:s22] =	dma.local [hbm:s5], s20  }
0xa4: {  	_ =	swait.ge [sflag:s22], s20  }
0xa5: {  	s4 =	ssub.s32 $0x0, s20;
	[sflag:s22] =	ssyncset.done $0x0  }
0xa6: {  	[sflag:s22] =	ssyncadd.s32 s4;
	_ =	sdelay $0x1  }
0xa7: {  	s23 =	simm.s32 $0x1B8B  }
0xa8: {  	_ =	swait.ge [sflag:s23], $0x1  }
0xa9: {  	[sflag:s23] =	ssyncset.done $0x0  }
0xaa: {  	s25 =	simm.s32 $0x1B8E;
	s24 =	sld [smem:$0x3FFE];
	[sflag:s23] =	ssyncadd.s32 $0xFFFFFFFF  }
0xab: {  	s26 =	simm.s32 $execute0_lowered;
	[smem:$0x3FD2] =	sst s25  }
0xac: {  	s5 =	sshll.u32 s26, $0x1;
	_ =	strace $0x80000046;
	[dreg:$0x1] =	wrdreg $0xFFFFFFFF  }
0xad: {  	s28 =	simm.s32 $_size_execute0_lowered;
	s3 =	sadd.s32 s3, s5;
	[dreg:$0x0] =	wrdreg $0x0  }
0xae: {  	s5 =	sshll.u32 s28, $0x1;
	[dreg:$0x2] =	wrdreg s3  }
0xaf: {  	[dreg:$0x3] =	wrdreg s5  }
0xb0: {  	[dreg:$0x4] =	wrdreg $0xC0  }
0xb1: {  	_ =	task [dreg:s7], $0x5FFFF  }
0xb2: {  	[dreg:$0x1] =	wrdreg $0xFFFFFFFF  }
0xb3: {  	[dreg:$0x0] =	wrdreg $0x60  }
0xb4: {  	[dreg:$0x2] =	wrdreg s24  }
0xb5: {  	[dreg:$0x3] =	wrdreg s16  }
0xb6: {  	[dreg:$0x4] =	wrdreg $0x9  }
0xb7: {  	_ =	task.clear_ibuf [dreg:s7], $0x5FFFF;
	_ =	strace $0x90000046  }
0xb8: {  	s29 =	simm.s32 $0x9;
	_ =	strace $0x80000048  }
0xb9: {  	_ =	swait.ge [sflag:s29], $0x1  }
0xba: {  	[sflag:s29] =	ssyncadd.s32 $0xFFFFFFFF  }
0xbb: {  	_ =	strace $0x90000048  }
0xbc: {  	_ =	sfence  }
0xbd: {  	s30 =	sld [smem:$0x0];
	_ =	sdelay $0x2  }
0xbe: {  	s31 =	sshll.u32 s1, $0xD;
	s1 =	sshrl.u32 s1, $0x2  }
0xbf: {  	s3 =	sand.u32 $0x4000, s31;
	s1 =	sadd.s32 s1, s30  }
0xc0: {  	s0 =	sor.u32 s3, s0;
	s1 =	sshll.u32 s1, $0x11  }
0xc1: {  	s0 =	sor.u32 s1, s0  }
0xc2: {  	s0 =	sadd.s32 $0x8F2B, s0  }
0xc3: {  	[sflag:s0] =	ssyncadd.remote.s32 $0x1  }
0xc4: {  	_ =	sfence.sel $0xFFFF  }
0xc5: {  	[dreg:$0x0] =	wrdreg $0xFFFFFFFF;
	(pc) =	sbr.abs _section_cstart, $3  }
0xc6: {  	[dreg:$0x1] =	wrdreg $0xFFFFFFFF  }
0xc7: {  	_ =	task.clear_ibuf [dreg:s7], $0x2FFFF;
	_ =	strace $0x9FFFFFFF  }
0xc8: {  	(tm) =	ssettm $0x7FFFFFFF  }
0xc9: {  	_ =	shalt  }
tec
execute0_lowered:
.L_overlay_start_1:
0x0: {  	(tag) =	ssettag $0x1  }
0x1: {  	s0 =	rddreg [dreg:$0x0]  }
0x2: {  	s1 =	rddreg [dreg:$0x1]  }
0x3: {  	s2 =	simm.s32 $0x0;
	s3 =	srdreg.scid;
	s5 =	stileid.u32  }
0x4: {  	s9 =	simm.s32 $0x80;
	s28 =	simm.s32 $0x500;
	s29 =	simm.s32 $0x5800  }
0x5: {  	s30 =	simm.s32 $0x580;
	s31 =	simm.s32 $0x6000;
	s10 =	simm.s32 $0x680  }
0x6: {  	s11 =	simm.s32 $0x7000;
	s12 =	simm.s32 $0x700;
	s13 =	simm.s32 $0x7800  }
0x7: {  	s14 =	simm.s32 $0x780;
	s15 =	simm.s32 $0x8000;
	s16 =	simm.s32 $0x1  }
0x8: {  	s17 =	simm.s32 $0x8800;
	s18 =	simm.s32 $0x800;
	s19 =	simm.s32 $0x0  }
0x9: {  	[smem:$0x7FF] =	sst s2;
	s4 =	sand.u32 $0x1, s3;
	s24 =	sshll.u32 s5, $0x1  }
0xa: {  	s3 =	sadd.s32 $0x800, s0;
	_ =	strace $0x80000047;
	s5 =	sor.u32 s4, s24  }
0xb: {  	s4 =	ssub.s32 $0x2, s4;
	s24 =	simm.s32 $0x4800;
	s6 =	sshll.u32 s5, $0x7  }
0xc: {  	s7 =	sshll.u32 s5, $0xC;
	s8 =	sshrl.u32 s4, $0x1;
	s26 =	sshll.u32 s5, $0x8  }
0xd: {  	s6 =	sadd.s32 s6, s0;
	s0 =	sadd.s32 s7, s0;
	s25 =	ssub.s32 s4, s8  }
0xe: {  	s4 =	sadd.s32 s1, s26;
	s8 =	simm.s32 $0x2;
	s26 =	simm.s32 $0x5000  }
0xf: {  	s1 =	simm.s32 $0x6800;
	s5 =	sadd.s32 $0x20800, s6;
	s6 =	sadd.s32 $0x21800, s0  }
0x10: {  	s7 =	smax.u32 s25, $0x1;
	s25 =	simm.s32 $0x480;
	s0 =	simm.s32 $0x600  }
.LBB2_1:
0x11: {  	[tilespmem:s2], [sflag:$0x2] =	stream.linear.gather [hbm4b:s4+s2], $0x800, $0x38;
	[tilespmem:$0x8C00] =	vst v63  }
0x12: {  	_ =	swait.ge [sflag:s8], $0x800  }
0x13: {  	[sflag:s8] =	ssyncset.done $0x0  }
0x14: {  	[sflag:s8] =	ssyncadd.s32 $0xFFFFF800  }
0x15: {  	[tilespmem:s18], [sflag:$0x1] =	stream.indirect.gather [hbm4b:s3+s9], $0x10, s2, s9, $0xb8;
	[tilespmem:$0x8C00] =	vst v63  }
0x16: {  	s20 =	simm.s32 $0x1000  }
0x17: {  	[tilespmem:s20], [sflag:$0x1] =	stream.indirect.gather [hbm4b:s3+s9], $0x10, s9, s9, $0xb8;
	[tilespmem:$0x8C00] =	vst v63  }
0x18: {  	s23 =	simm.s32 $0x100;
	s21 =	simm.s32 $0x1800  }
0x19: {  	[tilespmem:s21], [sflag:$0x1] =	stream.indirect.gather [hbm4b:s3+s9], $0x10, s23, s9, $0xb8;
	[tilespmem:$0x8C00] =	vst v63  }
0x1a: {  	s22 =	simm.s32 $0x180;
	s23 =	simm.s32 $0x2000  }
0x1b: {  	[tilespmem:s23], [sflag:$0x1] =	stream.indirect.gather [hbm4b:s3+s9], $0x10, s22, s9, $0xb8;
	[tilespmem:$0x8C00] =	vst v63  }
0x1c: {  	s22 =	simm.s32 $0x200;
	s23 =	simm.s32 $0x2800  }
0x1d: {  	[tilespmem:s23], [sflag:$0x1] =	stream.indirect.gather [hbm4b:s3+s9], $0x10, s22, s9, $0xb8;
	[tilespmem:$0x8C00] =	vst v63  }
0x1e: {  	s22 =	simm.s32 $0x280;
	s23 =	simm.s32 $0x3000  }
0x1f: {  	[tilespmem:s23], [sflag:$0x1] =	stream.indirect.gather [hbm4b:s3+s9], $0x10, s22, s9, $0xb8;
	[tilespmem:$0x8C00] =	vst v63  }
0x20: {  	s22 =	simm.s32 $0x300;
	s23 =	simm.s32 $0x3800  }
0x21: {  	[tilespmem:s23], [sflag:$0x1] =	stream.indirect.gather [hbm4b:s3+s9], $0x10, s22, s9, $0xb8;
	[tilespmem:$0x8C00] =	vst v63  }
0x22: {  	s21 =	simm.s32 $0x380;
	s22 =	simm.s32 $0x4000  }
0x23: {  	[tilespmem:s22], [sflag:$0x1] =	stream.indirect.gather [hbm4b:s3+s9], $0x10, s21, s9, $0xb8;
	[tilespmem:$0x8C00] =	vst v63  }
0x24: {  	s23 =	simm.s32 $0x400  }
0x25: {  	[tilespmem:s24], [sflag:$0x1] =	stream.indirect.gather [hbm4b:s3+s9], $0x10, s23, s9, $0xb8;
	[tilespmem:$0x8C00] =	vst v63  }
0x26: {  	_ = 	snop  }
0x27: {  	[tilespmem:s26], [sflag:$0x1] =	stream.indirect.gather [hbm4b:s3+s9], $0x10, s25, s9, $0xb8;
	[tilespmem:$0x8C00] =	vst v63  }
0x28: {  	_ = 	snop  }
0x29: {  	[tilespmem:s29], [sflag:$0x1] =	stream.indirect.gather [hbm4b:s3+s9], $0x10, s28, s9, $0xb8;
	[tilespmem:$0x8C00] =	vst v63  }
0x2a: {  	_ = 	snop  }
0x2b: {  	[tilespmem:s31], [sflag:$0x1] =	stream.indirect.gather [hbm4b:s3+s9], $0x10, s30, s9, $0xb8;
	[tilespmem:$0x8C00] =	vst v63  }
0x2c: {  	_ = 	snop  }
0x2d: {  	[tilespmem:s1], [sflag:$0x1] =	stream.indirect.gather [hbm4b:s3+s9], $0x10, s0, s9, $0xb8;
	[tilespmem:$0x8C00] =	vst v63  }
0x2e: {  	_ = 	snop  }
0x2f: {  	[tilespmem:s11], [sflag:$0x1] =	stream.indirect.gather [hbm4b:s3+s9], $0x10, s10, s9, $0xb8;
	[tilespmem:$0x8C00] =	vst v63  }
0x30: {  	_ = 	snop  }
0x31: {  	[tilespmem:s13], [sflag:$0x1] =	stream.indirect.gather [hbm4b:s3+s9], $0x10, s12, s9, $0xb8;
	[tilespmem:$0x8C00] =	vst v63  }
0x32: {  	_ = 	snop  }
0x33: {  	[tilespmem:s15], [sflag:$0x1] =	stream.indirect.gather [hbm4b:s3+s9], $0x10, s14, s9, $0xb8;
	[tilespmem:$0x8C00] =	vst v63  }
0x34: {  	_ =	swait.ge [sflag:s16], $0x800  }
0x35: {  	[sflag:s16] =	ssyncset.done $0x0  }
0x36: {  	[sflag:s16] =	ssyncadd.s32 $0xFFFFF800  }
0x37: {  	_ =	swait.ge [sflag:s16], $0x800  }
0x38: {  	[sflag:s16] =	ssyncset.done $0x0  }
0x39: {  	[sflag:s16] =	ssyncadd.s32 $0xFFFFF800  }
0x3a: {  	_ =	swait.ge [sflag:s16], $0x800  }
0x3b: {  	[sflag:s16] =	ssyncset.done $0x0  }
0x3c: {  	[sflag:s16] =	ssyncadd.s32 $0xFFFFF800  }
0x3d: {  	_ =	swait.ge [sflag:s16], $0x800  }
0x3e: {  	[sflag:s16] =	ssyncset.done $0x0  }
0x3f: {  	[sflag:s16] =	ssyncadd.s32 $0xFFFFF800  }
0x40: {  	_ =	swait.ge [sflag:s16], $0x800  }
0x41: {  	[sflag:s16] =	ssyncset.done $0x0  }
0x42: {  	[sflag:s16] =	ssyncadd.s32 $0xFFFFF800  }
0x43: {  	_ =	swait.ge [sflag:s16], $0x800  }
0x44: {  	[sflag:s16] =	ssyncset.done $0x0  }
0x45: {  	[sflag:s16] =	ssyncadd.s32 $0xFFFFF800  }
0x46: {  	_ =	swait.ge [sflag:s16], $0x800  }
0x47: {  	[sflag:s16] =	ssyncset.done $0x0  }
0x48: {  	[sflag:s16] =	ssyncadd.s32 $0xFFFFF800  }
0x49: {  	_ =	swait.ge [sflag:s16], $0x800  }
0x4a: {  	[sflag:s16] =	ssyncset.done $0x0  }
0x4b: {  	[sflag:s16] =	ssyncadd.s32 $0xFFFFF800  }
0x4c: {  	_ =	swait.ge [sflag:s16], $0x800  }
0x4d: {  	[sflag:s16] =	ssyncset.done $0x0  }
0x4e: {  	[sflag:s16] =	ssyncadd.s32 $0xFFFFF800  }
0x4f: {  	_ =	swait.ge [sflag:s16], $0x800  }
0x50: {  	[sflag:s16] =	ssyncset.done $0x0  }
0x51: {  	[sflag:s16] =	ssyncadd.s32 $0xFFFFF800  }
0x52: {  	_ =	swait.ge [sflag:s16], $0x800  }
0x53: {  	[sflag:s16] =	ssyncset.done $0x0  }
0x54: {  	[sflag:s16] =	ssyncadd.s32 $0xFFFFF800  }
0x55: {  	_ =	swait.ge [sflag:s16], $0x800  }
0x56: {  	[sflag:s16] =	ssyncset.done $0x0  }
0x57: {  	[sflag:s16] =	ssyncadd.s32 $0xFFFFF800  }
0x58: {  	_ =	swait.ge [sflag:s16], $0x800  }
0x59: {  	[sflag:s16] =	ssyncset.done $0x0  }
0x5a: {  	[sflag:s16] =	ssyncadd.s32 $0xFFFFF800  }
0x5b: {  	_ =	swait.ge [sflag:s16], $0x800  }
0x5c: {  	[sflag:s16] =	ssyncset.done $0x0  }
0x5d: {  	[sflag:s16] =	ssyncadd.s32 $0xFFFFF800  }
0x5e: {  	_ =	swait.ge [sflag:s16], $0x800  }
0x5f: {  	[sflag:s16] =	ssyncset.done $0x0  }
0x60: {  	[sflag:s16] =	ssyncadd.s32 $0xFFFFF800  }
0x61: {  	_ =	swait.ge [sflag:s16], $0x800  }
0x62: {  	[sflag:s16] =	ssyncset.done $0x0  }
0x63: {  	[sflag:s16] =	ssyncadd.s32 $0xFFFFF800  }
0x64: {  	[tilespmem:s17], [sflag:$0x2] =	stream.linear.gather [hbm4b:s5+s2], $0x400, $0x38;
	[tilespmem:$0x8C00] =	vst v63  }
0x65: {  	_ =	swait.ge [sflag:s8], $0x400  }
0x66: {  	[sflag:s8] =	ssyncset.done $0x0  }
0x67: {  	s20 =	simm.s32 $0x800;
	s21 =	simm.s32 $0x0;
	[sflag:s8] =	ssyncadd.s32 $0xFFFFFC00  }
.LBB2_2:
0x68: {  	v0 =	vmov s20;
	_ =	sdelay $0x1  }
0x69: {  	s22 =	sshll.u32 s21, $0x4  }
0x6a: {  	s22 =	sand.u32 $0x3FFFFFF0, s22  }
0x6b: {  	s23 =	simm.s32 $0x40;
	v1 =	vld [tilespmem:s22+$0x8800];
	s22 =	simm.s32 $0x0  }
.LBB2_3:
0x6c: {  	p0 =	sne.s32 s23, $0x7C0;
	v2 =	vld.idx.msk [tilespmem:v0+s22+$0x0 ss:$0x1], $0xffff;
	_ =	sdelay $0x3  }
.Ltmp0:
0x6d: {  	(pc) =	sbr.rel @p0 .LBB2_3-.Ltmp0, $3  }
0x6e: {  	_ = 	snop  }
0x6f: {  	v2 =	vsub.f32 v2, v1;
	_ =	sdelay $0x1  }
0x70: {  	[tilespmem:v0+s22+$0x0 ss:$0x1] =	vst.idx.msk $0xffff, v2;
	s22 =	sshra.s32 s23, $0x2;
	s23 =	sadd.s32 $0x40, s23  }
0x71: {  	_ =	sdelay $0x3  }
0x72: {  	v2 =	vld.idx.msk [tilespmem:v0+s22+$0x0 ss:$0x1], $0xffff  }
0x73: {  	s21 =	sadd.s32 $0x1, s21  }
0x74: {  	p0 =	sne.s32 s21, $0x40  }
.Ltmp1:
0x75: {  	_ = 	snop;
	(pc) =	sbr.rel @p0 .LBB2_2-.Ltmp1, $3  }
0x76: {  	_ = 	snop  }
0x77: {  	v1 =	vsub.f32 v2, v1;
	_ =	sdelay $0x1  }
0x78: {  	s20 =	sadd.s32 $0x200, s20;
	[tilespmem:v0+s22+$0x0 ss:$0x1] =	vst.idx.msk $0xffff, v1  }
0x79: {  	s19 =	sadd.s32 $0x1, s19  }
0x7a: {  	p0 =	sne.s32 s19, s7  }
.Ltmp2:
0x7b: {  	_ = 	snop;
	(pc) =	sbr.rel @p0 .LBB2_1-.Ltmp2, $4  }
0x7c: {  	[hbm4b:s6+s2] =	stream.linear.scatter [tilespmem:s18], [sflag:$0x2], $0x8000, $0x38;
	[tilespmem:$0x8C00] =	vst v63  }
0x7d: {  	_ =	swait.ge [sflag:s8], $0x8000  }
0x7e: {  	[sflag:s8] =	ssyncset.done $0x0  }
0x7f: {  	[sflag:s8] =	ssyncadd.s32 $0xFFFF8000  }
0x80: {  	_ =	sfence.sel $0x180000  }
0x81: {  	[bflag:$0x0] =	sbarrier.arrive $0xFFFF  }
0x82: {  	_ =	strace $0x90000047  }
0x83: {  	s0 =	stileid.u32;
	[bflag:$0x2] =	sbarrier.arrive $0xFFFF  }
0x84: {  	p0 =	sne.s32 s0, $0x0;
	s0 =	rddreg [dreg:$0x2]  }
0x85: {  	s0 =	sadd.s32 @!p0 $0x100000, s0  }
0x86: {  	[sflag:s0] =	ssyncadd.tile.s32 @!p0 $0x1;
	_ =	shalt  }
.Lfunc_end2:
_tile_overlayer_lowered:
.L_overlay_start_2:
0x87: {  	(tag) =	ssettag $0x2  }
0x88: {  	s0 =	rddreg [dreg:$0x0];
	s2 =	stileid.u32  }
0x89: {  	s1 =	rddreg [dreg:$0x1];
	p0 =	sne.s32 s2, $0x0  }
0x8a: {  	s3 =	rddreg [dreg:$0x2];
	[bflag:$0x3] =	sbarrier.arrive $0xFFFF;
	s2 =	simm.s32 @!p0 $0x1C02  }
0x8b: {  	[timem:s3], [sflag:s2] =	dma.local @!p0 [hbm:s0], s1  }
0x8c: {  	s0 =	simm.s32 @!p0 $0x2  }
0x8d: {  	_ =	swait.ge @!p0 [sflag:s0], s1  }
0x8e: {  	s1 =	ssub.s32 @!p0 $0x0, s1;
	[sflag:s0] =	ssyncset.done @!p0 $0x0  }
0x8f: {  	[sflag:s0] =	ssyncadd.s32 @!p0 s1  }
0x90: {  	[bflag:$0x3] =	sbarrier.arrive $0xFFFF  }
0x91: {  	_ =	shalt  }

</sc_bundles>
